<compile_context>
chip_gen: v7x
topology: tpu7x:2x2x1
jax: 0.10.2.dev20260603
libtpu: 0.0.44.dev20260713+nightly
codegen_flags: <defaults>
</compile_context>

<pallas_src>
import jax
import jax.numpy as jnp
from jax import lax
from jax.experimental import pallas as pl
from jax.experimental.pallas import tpu as pltpu
import jax.experimental.pallas.tpu_sc as plsc

NC, NS, LANES = 2, 16, 16
NW = NC * NS

B, PADLEN, EMB = 4096, 200, 128
HIDDEN, NCLS = 512, 1000
BPW = B // NW
HALF = PADLEN // 2
NCHUNK = BPW * 2
NBUF = 4
ECH = EMB // LANES


def _reduce_chunk(buf_ref):
  def body(l, acc):
    return tuple(acc[j] + buf_ref[l, pl.ds(j * LANES, LANES)]
                 for j in range(ECH))
  init = tuple(jnp.zeros((LANES,), jnp.float32) for _ in range(ECH))
  return lax.fori_loop(0, HALF, body, init, unroll=4)


def _pool_body(text_hbm, table_hbm, out_hbm, idx_v, bufs, acc_v, sems):
  wid = lax.axis_index("s") * NC + lax.axis_index("c")
  base = wid * BPW

  pltpu.sync_copy(text_hbm.at[wid], idx_v)

  for b in range(NBUF):
    pltpu.async_copy(table_hbm.at[idx_v.at[b // 2, b % 2]], bufs[b], sems[b])

  def outer(i, carry):
    c0 = i * NBUF
    for k in range(NBUF):
      c = c0 + k
      pltpu.make_async_copy(table_hbm.at[idx_v.at[0, 0]], bufs[k],
                            sems[k]).wait()
      accs = _reduce_chunk(bufs[k])
      rr = c // 2
      if k % 2 == 0:
        for j in range(ECH):
          acc_v[rr, pl.ds(j * LANES, LANES)] = accs[j]
      else:
        for j in range(ECH):
          plsc.addupdate(acc_v.at[rr, pl.ds(j * LANES, LANES)], accs[j])
      nc = c + NBUF
      @pl.when(nc < NCHUNK)
      def _():
        pltpu.async_copy(table_hbm.at[idx_v.at[nc // 2, k % 2]], bufs[k],
                         sems[k])
    return carry

  lax.fori_loop(0, NCHUNK // NBUF, outer, 0)

  pltpu.sync_copy(acc_v, out_hbm.at[pl.ds(base, BPW)])


def _pool(text4, emb_table):
  mesh = plsc.VectorSubcoreMesh(core_axis_name="c", subcore_axis_name="s",
                                num_cores=NC, num_subcores=NS)
  kern = pl.kernel(
      _pool_body,
      out_type=jax.ShapeDtypeStruct((B, EMB), jnp.float32),
      mesh=mesh,
      scratch_types=[
          pltpu.VMEM((BPW, 2, HALF), jnp.int32),
          [pltpu.VMEM((HALF, EMB), jnp.float32) for _ in range(NBUF)],
          pltpu.VMEM((BPW, EMB), jnp.float32),
          [pltpu.SemaphoreType.DMA for _ in range(NBUF)],
      ],
  )
  return kern(text4, emb_table)


BB = 512
CPAD = 1024


def _mlp_body(x_ref, wh_ref, bh_ref, wfc_ref, bfc_ref, o_ref):
  x = x_ref[...] * jnp.float32(1.0 / PADLEN)
  h = jnp.dot(x, wh_ref[...], preferred_element_type=jnp.float32) + bh_ref[...]
  o_ref[...] = (jnp.dot(h, wfc_ref[...], preferred_element_type=jnp.float32)
                + bfc_ref[...])


def _mlp(sums, W_h, b_h, W_fc_p, b_fc_p):
  return pl.pallas_call(
      _mlp_body,
      grid=(B // BB,),
      in_specs=[
          pl.BlockSpec((BB, EMB), lambda i: (i, 0)),
          pl.BlockSpec((EMB, HIDDEN), lambda i: (0, 0)),
          pl.BlockSpec((1, HIDDEN), lambda i: (0, 0)),
          pl.BlockSpec((HIDDEN, CPAD), lambda i: (0, 0)),
          pl.BlockSpec((1, CPAD), lambda i: (0, 0)),
      ],
      out_specs=pl.BlockSpec((BB, CPAD), lambda i: (i, 0)),
      out_shape=jax.ShapeDtypeStruct((B, CPAD), jnp.float32),
  )(sums, W_h, b_h, W_fc_p, b_fc_p)


@jax.jit
def kernel(text, words_per_sentence, emb_table, W_h, b_h, W_fc, b_fc):
  del words_per_sentence
  text4 = text.astype(jnp.int32).reshape(NW, BPW, 2, HALF)
  sums = _pool(text4, emb_table)
  W_fc_p = jnp.pad(W_fc, ((0, 0), (0, CPAD - NCLS)))
  b_fc_p = jnp.pad(b_fc, (0, CPAD - NCLS)).reshape(1, CPAD)
  out = _mlp(sums, W_h, b_h.reshape(1, HIDDEN), W_fc_p, b_fc_p)
  return out[:, :NCLS]

# --- scband reference (transcript-rebuilt; emitter-appended) ---
"""Pipeline reference for scband-fast-text-50749333569641 (READ-ONLY COPY).

The authoritative reference and input builder live on the scoring server;
editing this copy changes nothing except your own understanding.
"""

import jax, jax.numpy as jnp
import numpy as np

VOCAB = 100000
EMB = 128
HIDDEN = 512
NCLS = 1000
BATCH = 4096
PADLEN = 200

def setup_inputs(seed: int = 0) -> dict:
    key = jax.random.key(seed)
    k1, k2, k3, k4, k5, k6, k7 = jax.random.split(key, 7)
    text = jax.random.randint(k1, (BATCH, PADLEN), 0, VOCAB, dtype=jnp.int64 if jax.config.jax_enable_x64 else jnp.int32)
    words_per_sentence = jax.random.randint(k2, (BATCH,), 0, PADLEN, dtype=jnp.int64 if jax.config.jax_enable_x64 else jnp.int32)
    emb_table = jax.random.uniform(k3, (VOCAB, EMB), dtype=jnp.float32, minval=-0.1, maxval=0.1)
    W_h = jax.random.normal(k4, (EMB, HIDDEN), dtype=jnp.float32) * (1.0 / np.sqrt(EMB))
    b_h = jnp.zeros((HIDDEN,), dtype=jnp.float32)
    W_fc = jax.random.normal(k5, (HIDDEN, NCLS), dtype=jnp.float32) * (1.0 / np.sqrt(HIDDEN))
    b_fc = jnp.zeros((NCLS,), dtype=jnp.float32)
    return {"text": text, "words_per_sentence": words_per_sentence, "emb_table": emb_table, "W_h": W_h, "b_h": b_h, "W_fc": W_fc, "b_fc": b_fc}

def reference(text, words_per_sentence, emb_table, W_h, b_h, W_fc, b_fc):
    # embeddings = self.embeddings(text): gather rows of the table
    embeddings = jnp.take(emb_table, text, axis=0)  # (B, L, E)
    # avg over the word dimension (mean over dim=1); squeeze is a no-op here
    avg_embeddings = jnp.mean(embeddings, axis=1)  # (B, E)
    hidden = avg_embeddings @ W_h + b_h  # (B, H)
    scores = hidden @ W_fc + b_fc  # (B, C)
    return scores

if __name__ == "__main__":
    import jax
    _d = setup_inputs()
    print(jax.jit(kernel)(*tuple(_d.values())))

</pallas_src>

<mosaic_0001>
#map = affine_map<(d0, d1) -> (0, 0, 0, 0)>
#map1 = affine_map<(d0, d1) -> (0, 0)>
module attributes {stable_mosaic.version = 14 : i64} {
  func.func @_pool_body(%arg0: i32, %arg1: i32, %arg2: memref<32x128x2x100xi32, #tpu.memory_space<hbm>>, %arg3: memref<100000x128xf32, #tpu.memory_space<hbm>>, %arg4: memref<4096x128xf32, #tpu.memory_space<hbm>>, %arg5: memref<128x2x100xi32, #tpu.memory_space<vmem>>, %arg6: memref<100x128xf32, #tpu.memory_space<vmem>>, %arg7: memref<100x128xf32, #tpu.memory_space<vmem>>, %arg8: memref<100x128xf32, #tpu.memory_space<vmem>>, %arg9: memref<100x128xf32, #tpu.memory_space<vmem>>, %arg10: memref<128x128xf32, #tpu.memory_space<vmem>>, %arg11: memref<!tpu.dma_semaphore, #tpu.memory_space<semaphore_mem>>, %arg12: memref<!tpu.dma_semaphore, #tpu.memory_space<semaphore_mem>>, %arg13: memref<!tpu.dma_semaphore, #tpu.memory_space<semaphore_mem>>, %arg14: memref<!tpu.dma_semaphore, #tpu.memory_space<semaphore_mem>>) attributes {dimension_semantics = [#tpu.dimension_semantics<core_parallel>, #tpu.dimension_semantics<subcore_parallel>], iteration_bounds = array<i64: 2, 16>, scalar_prefetch = 0 : i64, scratch_operands = 10 : i64, tpu.core_type = #tpu.core_type<sc_vector_subcore>, window_params = [{transform_indices = #map}, {transform_indices = #map1}, {transform_indices = #map1}]} {
    %mul3A = arith.constant 2 : i32
    %mul3A_0 = arith.muli %arg1, %mul3A : i32
    %add3A = arith.addi %mul3A_0, %arg0 : i32
    %mul3A_1 = arith.constant 128 : i32
    %mul3A_2 = arith.muli %add3A, %mul3A_1 : i32
    "tpu.region"() ({
      %run_scoped3A = tpu.sem_alloc : memref<!tpu.dma_semaphore, #tpu.memory_space<semaphore_mem>>
      %dma_start3A_39 = arith.constant 0 : i32
      %dma_start3A_40 = arith.constant 0 : i32
      %dma_start3A_41 = arith.constant 0 : i32
      %dma_start3A_42 = tpu.memref_slice %arg2[%add3A, %dma_start3A_39, %dma_start3A_40, %dma_start3A_41] : memref<32x128x2x100xi32, #tpu.memory_space<hbm>> -> memref<1x128x2x100xi32, #tpu.memory_space<hbm>>
      %dma_start3A_43 = tpu.memref_squeeze %dma_start3A_42 : memref<1x128x2x100xi32, #tpu.memory_space<hbm>> -> memref<128x2x100xi32, #tpu.memory_space<hbm>>
      %dma_start3A_44 = arith.constant 0 : i32
      %dma_start3A_45 = arith.constant 0 : i32
      %dma_start3A_46 = arith.constant 0 : i32
      %dma_start3A_47 = tpu.memref_slice %arg2[%add3A, %dma_start3A_44, %dma_start3A_45, %dma_start3A_46] : memref<32x128x2x100xi32, #tpu.memory_space<hbm>> -> memref<1x128x2x100xi32, #tpu.memory_space<hbm>>
      %dma_start3A_48 = tpu.memref_squeeze %dma_start3A_47 : memref<1x128x2x100xi32, #tpu.memory_space<hbm>> -> memref<128x2x100xi32, #tpu.memory_space<hbm>>
      tpu.enqueue_dma source(%dma_start3A_48 : memref<128x2x100xi32, #tpu.memory_space<hbm>>) target(%arg5 : memref<128x2x100xi32, #tpu.memory_space<vmem>>) target_semaphore(%run_scoped3A : memref<!tpu.dma_semaphore, #tpu.memory_space<semaphore_mem>>)
      %dma_wait3A = arith.constant 0 : i32
      %dma_wait3A_49 = arith.constant 0 : i32
      %dma_wait3A_50 = arith.constant 0 : i32
      %dma_wait3A_51 = tpu.memref_slice %arg2[%add3A, %dma_wait3A, %dma_wait3A_49, %dma_wait3A_50] : memref<32x128x2x100xi32, #tpu.memory_space<hbm>> -> memref<1x128x2x100xi32, #tpu.memory_space<hbm>>
      %dma_wait3A_52 = tpu.memref_squeeze %dma_wait3A_51 : memref<1x128x2x100xi32, #tpu.memory_space<hbm>> -> memref<128x2x100xi32, #tpu.memory_space<hbm>>
      %dma_wait3A_53 = arith.constant 0 : i32
      %dma_wait3A_54 = arith.constant 0 : i32
      %dma_wait3A_55 = arith.constant 0 : i32
      %dma_wait3A_56 = tpu.memref_slice %arg2[%add3A, %dma_wait3A_53, %dma_wait3A_54, %dma_wait3A_55] : memref<32x128x2x100xi32, #tpu.memory_space<hbm>> -> memref<1x128x2x100xi32, #tpu.memory_space<hbm>>
      %dma_wait3A_57 = tpu.memref_squeeze %dma_wait3A_56 : memref<1x128x2x100xi32, #tpu.memory_space<hbm>> -> memref<128x2x100xi32, #tpu.memory_space<hbm>>
      tpu.wait_dma2 semaphore(%run_scoped3A : memref<!tpu.dma_semaphore, #tpu.memory_space<semaphore_mem>>) src(%dma_wait3A_57 : memref<128x2x100xi32, #tpu.memory_space<hbm>>) dst(%arg5 : memref<128x2x100xi32, #tpu.memory_space<vmem>>)
      tpu.yield
    }) : () -> ()
    %dma_start3A = arith.constant 0 : i32
    %dma_start3A_3 = arith.constant 0 : i32
    %dma_start3A_4 = arith.constant 0 : i32
    %dma_start3A_5 = tpu.memref_slice %arg5[%dma_start3A, %dma_start3A_3, %dma_start3A_4] : memref<128x2x100xi32, #tpu.memory_space<vmem>> -> memref<1x1x100xi32, #tpu.memory_space<vmem>>
    %dma_start3A_6 = tpu.memref_squeeze %dma_start3A_5 : memref<1x1x100xi32, #tpu.memory_space<vmem>> -> memref<100xi32, #tpu.memory_space<vmem>>
    %dma_start3A_7 = arith.constant 0 : i32
    %dma_start3A_8 = arith.constant 0 : i32
    %dma_start3A_9 = tpu.memref_slice %arg3[%dma_start3A_7, %dma_start3A_8] : memref<100000x128xf32, #tpu.memory_space<hbm>> -> memref<100000x128xf32, #tpu.memory_space<hbm>>
    tpu.enqueue_indirect_dma source(%dma_start3A_9 : memref<100000x128xf32, #tpu.memory_space<hbm>>) target(%arg6 : memref<100x128xf32, #tpu.memory_space<vmem>>) offsets(%dma_start3A_6 : memref<100xi32, #tpu.memory_space<vmem>>) semaphore(%arg11 : memref<!tpu.dma_semaphore, #tpu.memory_space<semaphore_mem>>)
    %dma_start3A_10 = arith.constant 0 : i32
    %dma_start3A_11 = arith.constant 1 : i32
    %dma_start3A_12 = arith.constant 0 : i32
    %dma_start3A_13 = tpu.memref_slice %arg5[%dma_start3A_10, %dma_start3A_11, %dma_start3A_12] : memref<128x2x100xi32, #tpu.memory_space<vmem>> -> memref<1x1x100xi32, #tpu.memory_space<vmem>>
    %dma_start3A_14 = tpu.memref_squeeze %dma_start3A_13 : memref<1x1x100xi32, #tpu.memory_space<vmem>> -> memref<100xi32, #tpu.memory_space<vmem>>
    %dma_start3A_15 = arith.constant 0 : i32
    %dma_start3A_16 = arith.constant 0 : i32
    %dma_start3A_17 = tpu.memref_slice %arg3[%dma_start3A_15, %dma_start3A_16] : memref<100000x128xf32, #tpu.memory_space<hbm>> -> memref<100000x128xf32, #tpu.memory_space<hbm>>
    tpu.enqueue_indirect_dma source(%dma_start3A_17 : memref<100000x128xf32, #tpu.memory_space<hbm>>) target(%arg7 : memref<100x128xf32, #tpu.memory_space<vmem>>) offsets(%dma_start3A_14 : memref<100xi32, #tpu.memory_space<vmem>>) semaphore(%arg12 : memref<!tpu.dma_semaphore, #tpu.memory_space<semaphore_mem>>)
    %dma_start3A_18 = arith.constant 1 : i32
    %dma_start3A_19 = arith.constant 0 : i32
    %dma_start3A_20 = arith.constant 0 : i32
    %dma_start3A_21 = tpu.memref_slice %arg5[%dma_start3A_18, %dma_start3A_19, %dma_start3A_20] : memref<128x2x100xi32, #tpu.memory_space<vmem>> -> memref<1x1x100xi32, #tpu.memory_space<vmem>>
    %dma_start3A_22 = tpu.memref_squeeze %dma_start3A_21 : memref<1x1x100xi32, #tpu.memory_space<vmem>> -> memref<100xi32, #tpu.memory_space<vmem>>
    %dma_start3A_23 = arith.constant 0 : i32
    %dma_start3A_24 = arith.constant 0 : i32
    %dma_start3A_25 = tpu.memref_slice %arg3[%dma_start3A_23, %dma_start3A_24] : memref<100000x128xf32, #tpu.memory_space<hbm>> -> memref<100000x128xf32, #tpu.memory_space<hbm>>
    tpu.enqueue_indirect_dma source(%dma_start3A_25 : memref<100000x128xf32, #tpu.memory_space<hbm>>) target(%arg8 : memref<100x128xf32, #tpu.memory_space<vmem>>) offsets(%dma_start3A_22 : memref<100xi32, #tpu.memory_space<vmem>>) semaphore(%arg13 : memref<!tpu.dma_semaphore, #tpu.memory_space<semaphore_mem>>)
    %dma_start3A_26 = arith.constant 1 : i32
    %dma_start3A_27 = arith.constant 1 : i32
    %dma_start3A_28 = arith.constant 0 : i32
    %dma_start3A_29 = tpu.memref_slice %arg5[%dma_start3A_26, %dma_start3A_27, %dma_start3A_28] : memref<128x2x100xi32, #tpu.memory_space<vmem>> -> memref<1x1x100xi32, #tpu.memory_space<vmem>>
    %dma_start3A_30 = tpu.memref_squeeze %dma_start3A_29 : memref<1x1x100xi32, #tpu.memory_space<vmem>> -> memref<100xi32, #tpu.memory_space<vmem>>
    %dma_start3A_31 = arith.constant 0 : i32
    %dma_start3A_32 = arith.constant 0 : i32
    %dma_start3A_33 = tpu.memref_slice %arg3[%dma_start3A_31, %dma_start3A_32] : memref<100000x128xf32, #tpu.memory_space<hbm>> -> memref<100000x128xf32, #tpu.memory_space<hbm>>
    tpu.enqueue_indirect_dma source(%dma_start3A_33 : memref<100000x128xf32, #tpu.memory_space<hbm>>) target(%arg9 : memref<100x128xf32, #tpu.memory_space<vmem>>) offsets(%dma_start3A_30 : memref<100xi32, #tpu.memory_space<vmem>>) semaphore(%arg14 : memref<!tpu.dma_semaphore, #tpu.memory_space<semaphore_mem>>)
    %scan3A = arith.constant 0 : i32
    %scan3A_34 = arith.constant 0 : i32
    %scan3A_35 = arith.constant 64 : i32
    %scan3A_36 = arith.addi %scan3A_34, %scan3A_35 : i32
    %scan3A_37 = arith.constant 1 : i32
    scf.for %scan3A_39 = %scan3A_34 to %scan3A_36 step %scan3A_37  : i32 {
      %mul3A_40 = arith.constant 4 : i32
      %mul3A_41 = arith.muli %scan3A_39, %mul3A_40 : i32
      %add3A_42 = arith.constant 0 : i32
      %add3A_43 = arith.addi %mul3A_41, %add3A_42 : i32
      %dma_wait3A = arith.constant 0 : i32
      %dma_wait3A_44 = arith.constant 0 : i32
      %dma_wait3A_45 = arith.constant 0 : i32
      %dma_wait3A_46 = tpu.memref_slice %arg5[%dma_wait3A, %dma_wait3A_44, %dma_wait3A_45] : memref<128x2x100xi32, #tpu.memory_space<vmem>> -> memref<1x1x100xi32, #tpu.memory_space<vmem>>
      %dma_wait3A_47 = tpu.memref_squeeze %dma_wait3A_46 : memref<1x1x100xi32, #tpu.memory_space<vmem>> -> memref<100xi32, #tpu.memory_space<vmem>>
      %dma_wait3A_48 = arith.constant 0 : i32
      %dma_wait3A_49 = arith.constant 0 : i32
      %dma_wait3A_50 = tpu.memref_slice %arg3[%dma_wait3A_48, %dma_wait3A_49] : memref<100000x128xf32, #tpu.memory_space<hbm>> -> memref<100000x128xf32, #tpu.memory_space<hbm>>
      tpu.wait_indirect_dma semaphore(%arg11 : memref<!tpu.dma_semaphore, #tpu.memory_space<semaphore_mem>>) src(%dma_wait3A_50 : memref<100000x128xf32, #tpu.memory_space<hbm>>) dst(%arg6 : memref<100x128xf32, #tpu.memory_space<vmem>>)
      %broadcast_in_dim3A = arith.constant 0.000000e+00 : f32
      %broadcast_in_dim3A_51 = vector.broadcast %broadcast_in_dim3A : f32 to vector<16xf32>
      %broadcast_in_dim3A_52 = arith.constant 0.000000e+00 : f32
      %broadcast_in_dim3A_53 = vector.broadcast %broadcast_in_dim3A_52 : f32 to vector<16xf32>
      %broadcast_in_dim3A_54 = arith.constant 0.000000e+00 : f32
      %broadcast_in_dim3A_55 = vector.broadcast %broadcast_in_dim3A_54 : f32 to vector<16xf32>
      %broadcast_in_dim3A_56 = arith.constant 0.000000e+00 : f32
      %broadcast_in_dim3A_57 = vector.broadcast %broadcast_in_dim3A_56 : f32 to vector<16xf32>
      %broadcast_in_dim3A_58 = arith.constant 0.000000e+00 : f32
      %broadcast_in_dim3A_59 = vector.broadcast %broadcast_in_dim3A_58 : f32 to vector<16xf32>
      %broadcast_in_dim3A_60 = arith.constant 0.000000e+00 : f32
      %broadcast_in_dim3A_61 = vector.broadcast %broadcast_in_dim3A_60 : f32 to vector<16xf32>
      %broadcast_in_dim3A_62 = arith.constant 0.000000e+00 : f32
      %broadcast_in_dim3A_63 = vector.broadcast %broadcast_in_dim3A_62 : f32 to vector<16xf32>
      %broadcast_in_dim3A_64 = arith.constant 0.000000e+00 : f32
      %broadcast_in_dim3A_65 = vector.broadcast %broadcast_in_dim3A_64 : f32 to vector<16xf32>
      %scan3A_66 = arith.constant 0 : i32
      %scan3A_67 = arith.constant 100 : i32
      %scan3A_68 = arith.addi %scan3A_66, %scan3A_67 : i32
      %scan3A_69 = arith.constant 4 : i32
      %scan3A_70:8 = scf.for %scan3A_440 = %scan3A_66 to %scan3A_68 step %scan3A_69 iter_args(%scan3A_441 = %broadcast_in_dim3A_51, %scan3A_442 = %broadcast_in_dim3A_53, %scan3A_443 = %broadcast_in_dim3A_55, %scan3A_444 = %broadcast_in_dim3A_57, %scan3A_445 = %broadcast_in_dim3A_59, %scan3A_446 = %broadcast_in_dim3A_61, %scan3A_447 = %broadcast_in_dim3A_63, %scan3A_448 = %broadcast_in_dim3A_65) -> (vector<16xf32>, vector<16xf32>, vector<16xf32>, vector<16xf32>, vector<16xf32>, vector<16xf32>, vector<16xf32>, vector<16xf32>)  : i32 {
        %get3A = arith.index_cast %scan3A_440 : i32 to index
        %get3A_449 = arith.constant 0 : index
        %get3A_450 = tpu.vector_load %arg6[%get3A, %get3A_449] {strides = array<i32>} : memref<100x128xf32, #tpu.memory_space<vmem>>, vector<1x16xf32>,
        %get3A_451 = vector.shape_cast %get3A_450 : vector<1x16xf32> to vector<16xf32>
        %add3A_452 = arith.addf %scan3A_441, %get3A_451 : vector<16xf32>
        %get3A_453 = arith.index_cast %scan3A_440 : i32 to index
        %get3A_454 = arith.constant 16 : index
        %get3A_455 = tpu.vector_load %arg6[%get3A_453, %get3A_454] {strides = array<i32>} : memref<100x128xf32, #tpu.memory_space<vmem>>, vector<1x16xf32>,
        %get3A_456 = vector.shape_cast %get3A_455 : vector<1x16xf32> to vector<16xf32>
        %add3A_457 = arith.addf %scan3A_442, %get3A_456 : vector<16xf32>
        %get3A_458 = arith.index_cast %scan3A_440 : i32 to index
        %get3A_459 = arith.constant 32 : index
        %get3A_460 = tpu.vector_load %arg6[%get3A_458, %get3A_459] {strides = array<i32>} : memref<100x128xf32, #tpu.memory_space<vmem>>, vector<1x16xf32>,
        %get3A_461 = vector.shape_cast %get3A_460 : vector<1x16xf32> to vector<16xf32>
        %add3A_462 = arith.addf %scan3A_443, %get3A_461 : vector<16xf32>
        %get3A_463 = arith.index_cast %scan3A_440 : i32 to index
        %get3A_464 = arith.constant 48 : index
        %get3A_465 = tpu.vector_load %arg6[%get3A_463, %get3A_464] {strides = array<i32>} : memref<100x128xf32, #tpu.memory_space<vmem>>, vector<1x16xf32>,
        %get3A_466 = vector.shape_cast %get3A_465 : vector<1x16xf32> to vector<16xf32>
        %add3A_467 = arith.addf %scan3A_444, %get3A_466 : vector<16xf32>
        %get3A_468 = arith.index_cast %scan3A_440 : i32 to index
        %get3A_469 = arith.constant 64 : index
        %get3A_470 = tpu.vector_load %arg6[%get3A_468, %get3A_469] {strides = array<i32>} : memref<100x128xf32, #tpu.memory_space<vmem>>, vector<1x16xf32>,
        %get3A_471 = vector.shape_cast %get3A_470 : vector<1x16xf32> to vector<16xf32>
        %add3A_472 = arith.addf %scan3A_445, %get3A_471 : vector<16xf32>
        %get3A_473 = arith.index_cast %scan3A_440 : i32 to index
        %get3A_474 = arith.constant 80 : index
        %get3A_475 = tpu.vector_load %arg6[%get3A_473, %get3A_474] {strides = array<i32>} : memref<100x128xf32, #tpu.memory_space<vmem>>, vector<1x16xf32>,
        %get3A_476 = vector.shape_cast %get3A_475 : vector<1x16xf32> to vector<16xf32>
        %add3A_477 = arith.addf %scan3A_446, %get3A_476 : vector<16xf32>
        %get3A_478 = arith.index_cast %scan3A_440 : i32 to index
        %get3A_479 = arith.constant 96 : index
        %get3A_480 = tpu.vector_load %arg6[%get3A_478, %get3A_479] {strides = array<i32>} : memref<100x128xf32, #tpu.memory_space<vmem>>, vector<1x16xf32>,
        %get3A_481 = vector.shape_cast %get3A_480 : vector<1x16xf32> to vector<16xf32>
        %add3A_482 = arith.addf %scan3A_447, %get3A_481 : vector<16xf32>
        %get3A_483 = arith.index_cast %scan3A_440 : i32 to index
        %get3A_484 = arith.constant 112 : index
        %get3A_485 = tpu.vector_load %arg6[%get3A_483, %get3A_484] {strides = array<i32>} : memref<100x128xf32, #tpu.memory_space<vmem>>, vector<1x16xf32>,
        %get3A_486 = vector.shape_cast %get3A_485 : vector<1x16xf32> to vector<16xf32>
        %add3A_487 = arith.addf %scan3A_448, %get3A_486 : vector<16xf32>
        %scan3A_488 = arith.constant 1 : i32
        %scan3A_489 = arith.addi %scan3A_440, %scan3A_488 : i32
        %get3A_490 = arith.index_cast %scan3A_489 : i32 to index
        %get3A_491 = arith.constant 0 : index
        %get3A_492 = tpu.vector_load %arg6[%get3A_490, %get3A_491] {strides = array<i32>} : memref<100x128xf32, #tpu.memory_space<vmem>>, vector<1x16xf32>,
        %get3A_493 = vector.shape_cast %get3A_492 : vector<1x16xf32> to vector<16xf32>
        %add3A_494 = arith.addf %add3A_452, %get3A_493 : vector<16xf32>
        %get3A_495 = arith.index_cast %scan3A_489 : i32 to index
        %get3A_496 = arith.constant 16 : index
        %get3A_497 = tpu.vector_load %arg6[%get3A_495, %get3A_496] {strides = array<i32>} : memref<100x128xf32, #tpu.memory_space<vmem>>, vector<1x16xf32>,
        %get3A_498 = vector.shape_cast %get3A_497 : vector<1x16xf32> to vector<16xf32>
        %add3A_499 = arith.addf %add3A_457, %get3A_498 : vector<16xf32>
        %get3A_500 = arith.index_cast %scan3A_489 : i32 to index
        %get3A_501 = arith.constant 32 : index
        %get3A_502 = tpu.vector_load %arg6[%get3A_500, %get3A_501] {strides = array<i32>} : memref<100x128xf32, #tpu.memory_space<vmem>>, vector<1x16xf32>,
        %get3A_503 = vector.shape_cast %get3A_502 : vector<1x16xf32> to vector<16xf32>
        %add3A_504 = arith.addf %add3A_462, %get3A_503 : vector<16xf32>
        %get3A_505 = arith.index_cast %scan3A_489 : i32 to index
        %get3A_506 = arith.constant 48 : index
        %get3A_507 = tpu.vector_load %arg6[%get3A_505, %get3A_506] {strides = array<i32>} : memref<100x128xf32, #tpu.memory_space<vmem>>, vector<1x16xf32>,
        %get3A_508 = vector.shape_cast %get3A_507 : vector<1x16xf32> to vector<16xf32>
        %add3A_509 = arith.addf %add3A_467, %get3A_508 : vector<16xf32>
        %get3A_510 = arith.index_cast %scan3A_489 : i32 to index
        %get3A_511 = arith.constant 64 : index
        %get3A_512 = tpu.vector_load %arg6[%get3A_510, %get3A_511] {strides = array<i32>} : memref<100x128xf32, #tpu.memory_space<vmem>>, vector<1x16xf32>,
        %get3A_513 = vector.shape_cast %get3A_512 : vector<1x16xf32> to vector<16xf32>
        %add3A_514 = arith.addf %add3A_472, %get3A_513 : vector<16xf32>
        %get3A_515 = arith.index_cast %scan3A_489 : i32 to index
        %get3A_516 = arith.constant 80 : index
        %get3A_517 = tpu.vector_load %arg6[%get3A_515, %get3A_516] {strides = array<i32>} : memref<100x128xf32, #tpu.memory_space<vmem>>, vector<1x16xf32>,
        %get3A_518 = vector.shape_cast %get3A_517 : vector<1x16xf32> to vector<16xf32>
        %add3A_519 = arith.addf %add3A_477, %get3A_518 : vector<16xf32>
        %get3A_520 = arith.index_cast %scan3A_489 : i32 to index
        %get3A_521 = arith.constant 96 : index
        %get3A_522 = tpu.vector_load %arg6[%get3A_520, %get3A_521] {strides = array<i32>} : memref<100x128xf32, #tpu.memory_space<vmem>>, vector<1x16xf32>,
        %get3A_523 = vector.shape_cast %get3A_522 : vector<1x16xf32> to vector<16xf32>
        %add3A_524 = arith.addf %add3A_482, %get3A_523 : vector<16xf32>
        %get3A_525 = arith.index_cast %scan3A_489 : i32 to index
        %get3A_526 = arith.constant 112 : index
        %get3A_527 = tpu.vector_load %arg6[%get3A_525, %get3A_526] {strides = array<i32>} : memref<100x128xf32, #tpu.memory_space<vmem>>, vector<1x16xf32>,
        %get3A_528 = vector.shape_cast %get3A_527 : vector<1x16xf32> to vector<16xf32>
        %add3A_529 = arith.addf %add3A_487, %get3A_528 : vector<16xf32>
        %scan3A_530 = arith.constant 2 : i32
        %scan3A_531 = arith.addi %scan3A_440, %scan3A_530 : i32
        %get3A_532 = arith.index_cast %scan3A_531 : i32 to index
        %get3A_533 = arith.constant 0 : index
        %get3A_534 = tpu.vector_load %arg6[%get3A_532, %get3A_533] {strides = array<i32>} : memref<100x128xf32, #tpu.memory_space<vmem>>, vector<1x16xf32>,
        %get3A_535 = vector.shape_cast %get3A_534 : vector<1x16xf32> to vector<16xf32>
        %add3A_536 = arith.addf %add3A_494, %get3A_535 : vector<16xf32>
        %get3A_537 = arith.index_cast %scan3A_531 : i32 to index
        %get3A_538 = arith.constant 16 : index
        %get3A_539 = tpu.vector_load %arg6[%get3A_537, %get3A_538] {strides = array<i32>} : memref<100x128xf32, #tpu.memory_space<vmem>>, vector<1x16xf32>,
        %get3A_540 = vector.shape_cast %get3A_539 : vector<1x16xf32> to vector<16xf32>
        %add3A_541 = arith.addf %add3A_499, %get3A_540 : vector<16xf32>
        %get3A_542 = arith.index_cast %scan3A_531 : i32 to index
        %get3A_543 = arith.constant 32 : index
        %get3A_544 = tpu.vector_load %arg6[%get3A_542, %get3A_543] {strides = array<i32>} : memref<100x128xf32, #tpu.memory_space<vmem>>, vector<1x16xf32>,
        %get3A_545 = vector.shape_cast %get3A_544 : vector<1x16xf32> to vector<16xf32>
        %add3A_546 = arith.addf %add3A_504, %get3A_545 : vector<16xf32>
        %get3A_547 = arith.index_cast %scan3A_531 : i32 to index
        %get3A_548 = arith.constant 48 : index
        %get3A_549 = tpu.vector_load %arg6[%get3A_547, %get3A_548] {strides = array<i32>} : memref<100x128xf32, #tpu.memory_space<vmem>>, vector<1x16xf32>,
        %get3A_550 = vector.shape_cast %get3A_549 : vector<1x16xf32> to vector<16xf32>
        %add3A_551 = arith.addf %add3A_509, %get3A_550 : vector<16xf32>
        %get3A_552 = arith.index_cast %scan3A_531 : i32 to index
        %get3A_553 = arith.constant 64 : index
        %get3A_554 = tpu.vector_load %arg6[%get3A_552, %get3A_553] {strides = array<i32>} : memref<100x128xf32, #tpu.memory_space<vmem>>, vector<1x16xf32>,
        %get3A_555 = vector.shape_cast %get3A_554 : vector<1x16xf32> to vector<16xf32>
        %add3A_556 = arith.addf %add3A_514, %get3A_555 : vector<16xf32>
        %get3A_557 = arith.index_cast %scan3A_531 : i32 to index
        %get3A_558 = arith.constant 80 : index
        %get3A_559 = tpu.vector_load %arg6[%get3A_557, %get3A_558] {strides = array<i32>} : memref<100x128xf32, #tpu.memory_space<vmem>>, vector<1x16xf32>,
        %get3A_560 = vector.shape_cast %get3A_559 : vector<1x16xf32> to vector<16xf32>
        %add3A_561 = arith.addf %add3A_519, %get3A_560 : vector<16xf32>
        %get3A_562 = arith.index_cast %scan3A_531 : i32 to index
        %get3A_563 = arith.constant 96 : index
        %get3A_564 = tpu.vector_load %arg6[%get3A_562, %get3A_563] {strides = array<i32>} : memref<100x128xf32, #tpu.memory_space<vmem>>, vector<1x16xf32>,
        %get3A_565 = vector.shape_cast %get3A_564 : vector<1x16xf32> to vector<16xf32>
        %add3A_566 = arith.addf %add3A_524, %get3A_565 : vector<16xf32>
        %get3A_567 = arith.index_cast %scan3A_531 : i32 to index
        %get3A_568 = arith.constant 112 : index
        %get3A_569 = tpu.vector_load %arg6[%get3A_567, %get3A_568] {strides = array<i32>} : memref<100x128xf32, #tpu.memory_space<vmem>>, vector<1x16xf32>,
        %get3A_570 = vector.shape_cast %get3A_569 : vector<1x16xf32> to vector<16xf32>
        %add3A_571 = arith.addf %add3A_529, %get3A_570 : vector<16xf32>
        %scan3A_572 = arith.constant 3 : i32
        %scan3A_573 = arith.addi %scan3A_440, %scan3A_572 : i32
        %get3A_574 = arith.index_cast %scan3A_573 : i32 to index
        %get3A_575 = arith.constant 0 : index
        %get3A_576 = tpu.vector_load %arg6[%get3A_574, %get3A_575] {strides = array<i32>} : memref<100x128xf32, #tpu.memory_space<vmem>>, vector<1x16xf32>,
        %get3A_577 = vector.shape_cast %get3A_576 : vector<1x16xf32> to vector<16xf32>
        %add3A_578 = arith.addf %add3A_536, %get3A_577 : vector<16xf32>
        %get3A_579 = arith.index_cast %scan3A_573 : i32 to index
        %get3A_580 = arith.constant 16 : index
        %get3A_581 = tpu.vector_load %arg6[%get3A_579, %get3A_580] {strides = array<i32>} : memref<100x128xf32, #tpu.memory_space<vmem>>, vector<1x16xf32>,
        %get3A_582 = vector.shape_cast %get3A_581 : vector<1x16xf32> to vector<16xf32>
        %add3A_583 = arith.addf %add3A_541, %get3A_582 : vector<16xf32>
        %get3A_584 = arith.index_cast %scan3A_573 : i32 to index
        %get3A_585 = arith.constant 32 : index
        %get3A_586 = tpu.vector_load %arg6[%get3A_584, %get3A_585] {strides = array<i32>} : memref<100x128xf32, #tpu.memory_space<vmem>>, vector<1x16xf32>,
        %get3A_587 = vector.shape_cast %get3A_586 : vector<1x16xf32> to vector<16xf32>
        %add3A_588 = arith.addf %add3A_546, %get3A_587 : vector<16xf32>
        %get3A_589 = arith.index_cast %scan3A_573 : i32 to index
        %get3A_590 = arith.constant 48 : index
        %get3A_591 = tpu.vector_load %arg6[%get3A_589, %get3A_590] {strides = array<i32>} : memref<100x128xf32, #tpu.memory_space<vmem>>, vector<1x16xf32>,
        %get3A_592 = vector.shape_cast %get3A_591 : vector<1x16xf32> to vector<16xf32>
        %add3A_593 = arith.addf %add3A_551, %get3A_592 : vector<16xf32>
        %get3A_594 = arith.index_cast %scan3A_573 : i32 to index
        %get3A_595 = arith.constant 64 : index
        %get3A_596 = tpu.vector_load %arg6[%get3A_594, %get3A_595] {strides = array<i32>} : memref<100x128xf32, #tpu.memory_space<vmem>>, vector<1x16xf32>,
        %get3A_597 = vector.shape_cast %get3A_596 : vector<1x16xf32> to vector<16xf32>
        %add3A_598 = arith.addf %add3A_556, %get3A_597 : vector<16xf32>
        %get3A_599 = arith.index_cast %scan3A_573 : i32 to index
        %get3A_600 = arith.constant 80 : index
        %get3A_601 = tpu.vector_load %arg6[%get3A_599, %get3A_600] {strides = array<i32>} : memref<100x128xf32, #tpu.memory_space<vmem>>, vector<1x16xf32>,
        %get3A_602 = vector.shape_cast %get3A_601 : vector<1x16xf32> to vector<16xf32>
        %add3A_603 = arith.addf %add3A_561, %get3A_602 : vector<16xf32>
        %get3A_604 = arith.index_cast %scan3A_573 : i32 to index
        %get3A_605 = arith.constant 96 : index
        %get3A_606 = tpu.vector_load %arg6[%get3A_604, %get3A_605] {strides = array<i32>} : memref<100x128xf32, #tpu.memory_space<vmem>>, vector<1x16xf32>,
        %get3A_607 = vector.shape_cast %get3A_606 : vector<1x16xf32> to vector<16xf32>
        %add3A_608 = arith.addf %add3A_566, %get3A_607 : vector<16xf32>
        %get3A_609 = arith.index_cast %scan3A_573 : i32 to index
        %get3A_610 = arith.constant 112 : index
        %get3A_611 = tpu.vector_load %arg6[%get3A_609, %get3A_610] {strides = array<i32>} : memref<100x128xf32, #tpu.memory_space<vmem>>, vector<1x16xf32>,
        %get3A_612 = vector.shape_cast %get3A_611 : vector<1x16xf32> to vector<16xf32>
        %add3A_613 = arith.addf %add3A_571, %get3A_612 : vector<16xf32>
        scf.yield %add3A_578, %add3A_583, %add3A_588, %add3A_593, %add3A_598, %add3A_603, %add3A_608, %add3A_613 : vector<16xf32>, vector<16xf32>, vector<16xf32>, vector<16xf32>, vector<16xf32>, vector<16xf32>, vector<16xf32>, vector<16xf32>
      }
      %scan3A_71 = arith.constant 100 : i32
      %jit3A = arith.constant 2 : i32
      %div3A = arith.divsi %add3A_43, %jit3A : i32
      %sign3A = arith.constant 0 : i32
      %sign3A_72 = arith.cmpi sgt, %add3A_43, %sign3A : i32
      %sign3A_73 = arith.extui %sign3A_72 : i1 to i32
      %sign3A_74 = arith.constant 0 : i32
      %sign3A_75 = arith.cmpi slt, %add3A_43, %sign3A_74 : i32
      %sign3A_76 = arith.extui %sign3A_75 : i1 to i32
      %sign3A_77 = arith.subi %sign3A_73, %sign3A_76 : i32
      %sign3A_78 = arith.constant 0 : i32
      %sign3A_79 = arith.cmpi sgt, %jit3A, %sign3A_78 : i32
      %sign3A_80 = arith.extui %sign3A_79 : i1 to i32
      %sign3A_81 = arith.constant 0 : i32
      %sign3A_82 = arith.cmpi slt, %jit3A, %sign3A_81 : i32
      %sign3A_83 = arith.extui %sign3A_82 : i1 to i32
      %sign3A_84 = arith.subi %sign3A_80, %sign3A_83 : i32
      %ne3A = arith.cmpi ne, %sign3A_77, %sign3A_84 : i32
      %rem3A = arith.remsi %add3A_43, %jit3A : i32
      %ne3A_85 = arith.constant 0 : i32
      %ne3A_86 = arith.cmpi ne, %rem3A, %ne3A_85 : i32
      %and3A = arith.andi %ne3A, %ne3A_86 : i1
      %sub3A = arith.constant 1 : i32
      %sub3A_87 = arith.subi %div3A, %sub3A : i32
      %select_n3A = arith.select %and3A, %sub3A_87, %div3A : i32
      %swap3A = arith.index_cast %select_n3A : i32 to index
      %swap3A_88 = arith.constant 0 : index
      %swap3A_89 = tpu.vector_load %arg10[%swap3A, %swap3A_88] {strides = array<i32>} : memref<128x128xf32, #tpu.memory_space<vmem>>, vector<1x16xf32>,
      %swap3A_90 = vector.shape_cast %swap3A_89 : vector<1x16xf32> to vector<16xf32>
      %swap3A_91 = vector.shape_cast %scan3A_70#0 : vector<16xf32> to vector<1x16xf32>
      tpu.vector_store %arg10[%swap3A, %swap3A_88], %swap3A_91 {strides = array<i32>} : memref<128x128xf32, #tpu.memory_space<vmem>>, vector<1x16xf32>,
      %swap3A_92 = arith.index_cast %select_n3A : i32 to index
      %swap3A_93 = arith.constant 16 : index
      %swap3A_94 = tpu.vector_load %arg10[%swap3A_92, %swap3A_93] {strides = array<i32>} : memref<128x128xf32, #tpu.memory_space<vmem>>, vector<1x16xf32>,
      %swap3A_95 = vector.shape_cast %swap3A_94 : vector<1x16xf32> to vector<16xf32>
      %swap3A_96 = vector.shape_cast %scan3A_70#1 : vector<16xf32> to vector<1x16xf32>
      tpu.vector_store %arg10[%swap3A_92, %swap3A_93], %swap3A_96 {strides = array<i32>} : memref<128x128xf32, #tpu.memory_space<vmem>>, vector<1x16xf32>,
      %swap3A_97 = arith.index_cast %select_n3A : i32 to index
      %swap3A_98 = arith.constant 32 : index
      %swap3A_99 = tpu.vector_load %arg10[%swap3A_97, %swap3A_98] {strides = array<i32>} : memref<128x128xf32, #tpu.memory_space<vmem>>, vector<1x16xf32>,
      %swap3A_100 = vector.shape_cast %swap3A_99 : vector<1x16xf32> to vector<16xf32>
      %swap3A_101 = vector.shape_cast %scan3A_70#2 : vector<16xf32> to vector<1x16xf32>
      tpu.vector_store %arg10[%swap3A_97, %swap3A_98], %swap3A_101 {strides = array<i32>} : memref<128x128xf32, #tpu.memory_space<vmem>>, vector<1x16xf32>,
      %swap3A_102 = arith.index_cast %select_n3A : i32 to index
      %swap3A_103 = arith.constant 48 : index
      %swap3A_104 = tpu.vector_load %arg10[%swap3A_102, %swap3A_103] {strides = array<i32>} : memref<128x128xf32, #tpu.memory_space<vmem>>, vector<1x16xf32>,
      %swap3A_105 = vector.shape_cast %swap3A_104 : vector<1x16xf32> to vector<16xf32>
      %swap3A_106 = vector.shape_cast %scan3A_70#3 : vector<16xf32> to vector<1x16xf32>
      tpu.vector_store %arg10[%swap3A_102, %swap3A_103], %swap3A_106 {strides = array<i32>} : memref<128x128xf32, #tpu.memory_space<vmem>>, vector<1x16xf32>,
      %swap3A_107 = arith.index_cast %select_n3A : i32 to index
      %swap3A_108 = arith.constant 64 : index
      %swap3A_109 = tpu.vector_load %arg10[%swap3A_107, %swap3A_108] {strides = array<i32>} : memref<128x128xf32, #tpu.memory_space<vmem>>, vector<1x16xf32>,
      %swap3A_110 = vector.shape_cast %swap3A_109 : vector<1x16xf32> to vector<16xf32>
      %swap3A_111 = vector.shape_cast %scan3A_70#4 : vector<16xf32> to vector<1x16xf32>
      tpu.vector_store %arg10[%swap3A_107, %swap3A_108], %swap3A_111 {strides = array<i32>} : memref<128x128xf32, #tpu.memory_space<vmem>>, vector<1x16xf32>,
      %swap3A_112 = arith.index_cast %select_n3A : i32 to index
      %swap3A_113 = arith.constant 80 : index
      %swap3A_114 = tpu.vector_load %arg10[%swap3A_112, %swap3A_113] {strides = array<i32>} : memref<128x128xf32, #tpu.memory_space<vmem>>, vector<1x16xf32>,
      %swap3A_115 = vector.shape_cast %swap3A_114 : vector<1x16xf32> to vector<16xf32>
      %swap3A_116 = vector.shape_cast %scan3A_70#5 : vector<16xf32> to vector<1x16xf32>
      tpu.vector_store %arg10[%swap3A_112, %swap3A_113], %swap3A_116 {strides = array<i32>} : memref<128x128xf32, #tpu.memory_space<vmem>>, vector<1x16xf32>,
      %swap3A_117 = arith.index_cast %select_n3A : i32 to index
      %swap3A_118 = arith.constant 96 : index
      %swap3A_119 = tpu.vector_load %arg10[%swap3A_117, %swap3A_118] {strides = array<i32>} : memref<128x128xf32, #tpu.memory_space<vmem>>, vector<1x16xf32>,
      %swap3A_120 = vector.shape_cast %swap3A_119 : vector<1x16xf32> to vector<16xf32>
      %swap3A_121 = vector.shape_cast %scan3A_70#6 : vector<16xf32> to vector<1x16xf32>
      tpu.vector_store %arg10[%swap3A_117, %swap3A_118], %swap3A_121 {strides = array<i32>} : memref<128x128xf32, #tpu.memory_space<vmem>>, vector<1x16xf32>,
      %swap3A_122 = arith.index_cast %select_n3A : i32 to index
      %swap3A_123 = arith.constant 112 : index
      %swap3A_124 = tpu.vector_load %arg10[%swap3A_122, %swap3A_123] {strides = array<i32>} : memref<128x128xf32, #tpu.memory_space<vmem>>, vector<1x16xf32>,
      %swap3A_125 = vector.shape_cast %swap3A_124 : vector<1x16xf32> to vector<16xf32>
      %swap3A_126 = vector.shape_cast %scan3A_70#7 : vector<16xf32> to vector<1x16xf32>
      tpu.vector_store %arg10[%swap3A_122, %swap3A_123], %swap3A_126 {strides = array<i32>} : memref<128x128xf32, #tpu.memory_space<vmem>>, vector<1x16xf32>,
      %add3A_127 = arith.constant 4 : i32
      %add3A_128 = arith.addi %add3A_43, %add3A_127 : i32
      %lt3A = arith.constant 256 : i32
      %lt3A_129 = arith.cmpi slt, %add3A_128, %lt3A : i32
      %convert_element_type3A = arith.extui %lt3A_129 : i1 to i32
      %cond3A = arith.constant 0 : i32
      %cond3A_130 = arith.cmpi ne, %convert_element_type3A, %cond3A : i32
      scf.if %cond3A_130 {
        %jit3A_440 = arith.constant 2 : i32
        %div3A_441 = arith.divsi %add3A_128, %jit3A_440 : i32
        %sign3A_442 = arith.constant 0 : i32
        %sign3A_443 = arith.cmpi sgt, %add3A_128, %sign3A_442 : i32
        %sign3A_444 = arith.extui %sign3A_443 : i1 to i32
        %sign3A_445 = arith.constant 0 : i32
        %sign3A_446 = arith.cmpi slt, %add3A_128, %sign3A_445 : i32
        %sign3A_447 = arith.extui %sign3A_446 : i1 to i32
        %sign3A_448 = arith.subi %sign3A_444, %sign3A_447 : i32
        %sign3A_449 = arith.constant 0 : i32
        %sign3A_450 = arith.cmpi sgt, %jit3A_440, %sign3A_449 : i32
        %sign3A_451 = arith.extui %sign3A_450 : i1 to i32
        %sign3A_452 = arith.constant 0 : i32
        %sign3A_453 = arith.cmpi slt, %jit3A_440, %sign3A_452 : i32
        %sign3A_454 = arith.extui %sign3A_453 : i1 to i32
        %sign3A_455 = arith.subi %sign3A_451, %sign3A_454 : i32
        %ne3A_456 = arith.cmpi ne, %sign3A_448, %sign3A_455 : i32
        %rem3A_457 = arith.remsi %add3A_128, %jit3A_440 : i32
        %ne3A_458 = arith.constant 0 : i32
        %ne3A_459 = arith.cmpi ne, %rem3A_457, %ne3A_458 : i32
        %and3A_460 = arith.andi %ne3A_456, %ne3A_459 : i1
        %sub3A_461 = arith.constant 1 : i32
        %sub3A_462 = arith.subi %div3A_441, %sub3A_461 : i32
        %select_n3A_463 = arith.select %and3A_460, %sub3A_462, %div3A_441 : i32
        %dma_start3A_464 = arith.constant 0 : i32
        %dma_start3A_465 = arith.constant 0 : i32
        %dma_start3A_466 = tpu.memref_slice %arg5[%select_n3A_463, %dma_start3A_464, %dma_start3A_465] : memref<128x2x100xi32, #tpu.memory_space<vmem>> -> memref<1x1x100xi32, #tpu.memory_space<vmem>>
        %dma_start3A_467 = tpu.memref_squeeze %dma_start3A_466 : memref<1x1x100xi32, #tpu.memory_space<vmem>> -> memref<100xi32, #tpu.memory_space<vmem>>
        %dma_start3A_468 = arith.constant 0 : i32
        %dma_start3A_469 = arith.constant 0 : i32
        %dma_start3A_470 = tpu.memref_slice %arg3[%dma_start3A_468, %dma_start3A_469] : memref<100000x128xf32, #tpu.memory_space<hbm>> -> memref<100000x128xf32, #tpu.memory_space<hbm>>
        tpu.enqueue_indirect_dma source(%dma_start3A_470 : memref<100000x128xf32, #tpu.memory_space<hbm>>) target(%arg6 : memref<100x128xf32, #tpu.memory_space<vmem>>) offsets(%dma_start3A_467 : memref<100xi32, #tpu.memory_space<vmem>>) semaphore(%arg11 : memref<!tpu.dma_semaphore, #tpu.memory_space<semaphore_mem>>)
      } else {
      }
      %add3A_131 = arith.constant 1 : i32
      %add3A_132 = arith.addi %mul3A_41, %add3A_131 : i32
      %dma_wait3A_133 = arith.constant 0 : i32
      %dma_wait3A_134 = arith.constant 0 : i32
      %dma_wait3A_135 = arith.constant 0 : i32
      %dma_wait3A_136 = tpu.memref_slice %arg5[%dma_wait3A_133, %dma_wait3A_134, %dma_wait3A_135] : memref<128x2x100xi32, #tpu.memory_space<vmem>> -> memref<1x1x100xi32, #tpu.memory_space<vmem>>
      %dma_wait3A_137 = tpu.memref_squeeze %dma_wait3A_136 : memref<1x1x100xi32, #tpu.memory_space<vmem>> -> memref<100xi32, #tpu.memory_space<vmem>>
      %dma_wait3A_138 = arith.constant 0 : i32
      %dma_wait3A_139 = arith.constant 0 : i32
      %dma_wait3A_140 = tpu.memref_slice %arg3[%dma_wait3A_138, %dma_wait3A_139] : memref<100000x128xf32, #tpu.memory_space<hbm>> -> memref<100000x128xf32, #tpu.memory_space<hbm>>
      tpu.wait_indirect_dma semaphore(%arg12 : memref<!tpu.dma_semaphore, #tpu.memory_space<semaphore_mem>>) src(%dma_wait3A_140 : memref<100000x128xf32, #tpu.memory_space<hbm>>) dst(%arg7 : memref<100x128xf32, #tpu.memory_space<vmem>>)
      %broadcast_in_dim3A_141 = arith.constant 0.000000e+00 : f32
      %broadcast_in_dim3A_142 = vector.broadcast %broadcast_in_dim3A_141 : f32 to vector<16xf32>
      %broadcast_in_dim3A_143 = arith.constant 0.000000e+00 : f32
      %broadcast_in_dim3A_144 = vector.broadcast %broadcast_in_dim3A_143 : f32 to vector<16xf32>
      %broadcast_in_dim3A_145 = arith.constant 0.000000e+00 : f32
      %broadcast_in_dim3A_146 = vector.broadcast %broadcast_in_dim3A_145 : f32 to vector<16xf32>
      %broadcast_in_dim3A_147 = arith.constant 0.000000e+00 : f32
      %broadcast_in_dim3A_148 = vector.broadcast %broadcast_in_dim3A_147 : f32 to vector<16xf32>
      %broadcast_in_dim3A_149 = arith.constant 0.000000e+00 : f32
      %broadcast_in_dim3A_150 = vector.broadcast %broadcast_in_dim3A_149 : f32 to vector<16xf32>
      %broadcast_in_dim3A_151 = arith.constant 0.000000e+00 : f32
      %broadcast_in_dim3A_152 = vector.broadcast %broadcast_in_dim3A_151 : f32 to vector<16xf32>
      %broadcast_in_dim3A_153 = arith.constant 0.000000e+00 : f32
      %broadcast_in_dim3A_154 = vector.broadcast %broadcast_in_dim3A_153 : f32 to vector<16xf32>
      %broadcast_in_dim3A_155 = arith.constant 0.000000e+00 : f32
      %broadcast_in_dim3A_156 = vector.broadcast %broadcast_in_dim3A_155 : f32 to vector<16xf32>
      %scan3A_157 = arith.constant 0 : i32
      %scan3A_158 = arith.constant 100 : i32
      %scan3A_159 = arith.addi %scan3A_157, %scan3A_158 : i32
      %scan3A_160 = arith.constant 4 : i32
      %scan3A_161:8 = scf.for %scan3A_440 = %scan3A_157 to %scan3A_159 step %scan3A_160 iter_args(%scan3A_441 = %broadcast_in_dim3A_142, %scan3A_442 = %broadcast_in_dim3A_144, %scan3A_443 = %broadcast_in_dim3A_146, %scan3A_444 = %broadcast_in_dim3A_148, %scan3A_445 = %broadcast_in_dim3A_150, %scan3A_446 = %broadcast_in_dim3A_152, %scan3A_447 = %broadcast_in_dim3A_154, %scan3A_448 = %broadcast_in_dim3A_156) -> (vector<16xf32>, vector<16xf32>, vector<16xf32>, vector<16xf32>, vector<16xf32>, vector<16xf32>, vector<16xf32>, vector<16xf32>)  : i32 {
        %get3A = arith.index_cast %scan3A_440 : i32 to index
        %get3A_449 = arith.constant 0 : index
        %get3A_450 = tpu.vector_load %arg7[%get3A, %get3A_449] {strides = array<i32>} : memref<100x128xf32, #tpu.memory_space<vmem>>, vector<1x16xf32>,
        %get3A_451 = vector.shape_cast %get3A_450 : vector<1x16xf32> to vector<16xf32>
        %add3A_452 = arith.addf %scan3A_441, %get3A_451 : vector<16xf32>
        %get3A_453 = arith.index_cast %scan3A_440 : i32 to index
        %get3A_454 = arith.constant 16 : index
        %get3A_455 = tpu.vector_load %arg7[%get3A_453, %get3A_454] {strides = array<i32>} : memref<100x128xf32, #tpu.memory_space<vmem>>, vector<1x16xf32>,
        %get3A_456 = vector.shape_cast %get3A_455 : vector<1x16xf32> to vector<16xf32>
        %add3A_457 = arith.addf %scan3A_442, %get3A_456 : vector<16xf32>
        %get3A_458 = arith.index_cast %scan3A_440 : i32 to index
        %get3A_459 = arith.constant 32 : index
        %get3A_460 = tpu.vector_load %arg7[%get3A_458, %get3A_459] {strides = array<i32>} : memref<100x128xf32, #tpu.memory_space<vmem>>, vector<1x16xf32>,
        %get3A_461 = vector.shape_cast %get3A_460 : vector<1x16xf32> to vector<16xf32>
        %add3A_462 = arith.addf %scan3A_443, %get3A_461 : vector<16xf32>
        %get3A_463 = arith.index_cast %scan3A_440 : i32 to index
        %get3A_464 = arith.constant 48 : index
        %get3A_465 = tpu.vector_load %arg7[%get3A_463, %get3A_464] {strides = array<i32>} : memref<100x128xf32, #tpu.memory_space<vmem>>, vector<1x16xf32>,
        %get3A_466 = vector.shape_cast %get3A_465 : vector<1x16xf32> to vector<16xf32>
        %add3A_467 = arith.addf %scan3A_444, %get3A_466 : vector<16xf32>
        %get3A_468 = arith.index_cast %scan3A_440 : i32 to index
        %get3A_469 = arith.constant 64 : index
        %get3A_470 = tpu.vector_load %arg7[%get3A_468, %get3A_469] {strides = array<i32>} : memref<100x128xf32, #tpu.memory_space<vmem>>, vector<1x16xf32>,
        %get3A_471 = vector.shape_cast %get3A_470 : vector<1x16xf32> to vector<16xf32>
        %add3A_472 = arith.addf %scan3A_445, %get3A_471 : vector<16xf32>
        %get3A_473 = arith.index_cast %scan3A_440 : i32 to index
        %get3A_474 = arith.constant 80 : index
        %get3A_475 = tpu.vector_load %arg7[%get3A_473, %get3A_474] {strides = array<i32>} : memref<100x128xf32, #tpu.memory_space<vmem>>, vector<1x16xf32>,
        %get3A_476 = vector.shape_cast %get3A_475 : vector<1x16xf32> to vector<16xf32>
        %add3A_477 = arith.addf %scan3A_446, %get3A_476 : vector<16xf32>
        %get3A_478 = arith.index_cast %scan3A_440 : i32 to index
        %get3A_479 = arith.constant 96 : index
        %get3A_480 = tpu.vector_load %arg7[%get3A_478, %get3A_479] {strides = array<i32>} : memref<100x128xf32, #tpu.memory_space<vmem>>, vector<1x16xf32>,
        %get3A_481 = vector.shape_cast %get3A_480 : vector<1x16xf32> to vector<16xf32>
        %add3A_482 = arith.addf %scan3A_447, %get3A_481 : vector<16xf32>
        %get3A_483 = arith.index_cast %scan3A_440 : i32 to index
        %get3A_484 = arith.constant 112 : index
        %get3A_485 = tpu.vector_load %arg7[%get3A_483, %get3A_484] {strides = array<i32>} : memref<100x128xf32, #tpu.memory_space<vmem>>, vector<1x16xf32>,
        %get3A_486 = vector.shape_cast %get3A_485 : vector<1x16xf32> to vector<16xf32>
        %add3A_487 = arith.addf %scan3A_448, %get3A_486 : vector<16xf32>
        %scan3A_488 = arith.constant 1 : i32
        %scan3A_489 = arith.addi %scan3A_440, %scan3A_488 : i32
        %get3A_490 = arith.index_cast %scan3A_489 : i32 to index
        %get3A_491 = arith.constant 0 : index
        %get3A_492 = tpu.vector_load %arg7[%get3A_490, %get3A_491] {strides = array<i32>} : memref<100x128xf32, #tpu.memory_space<vmem>>, vector<1x16xf32>,
        %get3A_493 = vector.shape_cast %get3A_492 : vector<1x16xf32> to vector<16xf32>
        %add3A_494 = arith.addf %add3A_452, %get3A_493 : vector<16xf32>
        %get3A_495 = arith.index_cast %scan3A_489 : i32 to index
        %get3A_496 = arith.constant 16 : index
        %get3A_497 = tpu.vector_load %arg7[%get3A_495, %get3A_496] {strides = array<i32>} : memref<100x128xf32, #tpu.memory_space<vmem>>, vector<1x16xf32>,
        %get3A_498 = vector.shape_cast %get3A_497 : vector<1x16xf32> to vector<16xf32>
        %add3A_499 = arith.addf %add3A_457, %get3A_498 : vector<16xf32>
        %get3A_500 = arith.index_cast %scan3A_489 : i32 to index
        %get3A_501 = arith.constant 32 : index
        %get3A_502 = tpu.vector_load %arg7[%get3A_500, %get3A_501] {strides = array<i32>} : memref<100x128xf32, #tpu.memory_space<vmem>>, vector<1x16xf32>,
        %get3A_503 = vector.shape_cast %get3A_502 : vector<1x16xf32> to vector<16xf32>
        %add3A_504 = arith.addf %add3A_462, %get3A_503 : vector<16xf32>
        %get3A_505 = arith.index_cast %scan3A_489 : i32 to index
        %get3A_506 = arith.constant 48 : index
        %get3A_507 = tpu.vector_load %arg7[%get3A_505, %get3A_506] {strides = array<i32>} : memref<100x128xf32, #tpu.memory_space<vmem>>, vector<1x16xf32>,
        %get3A_508 = vector.shape_cast %get3A_507 : vector<1x16xf32> to vector<16xf32>
        %add3A_509 = arith.addf %add3A_467, %get3A_508 : vector<16xf32>
        %get3A_510 = arith.index_cast %scan3A_489 : i32 to index
        %get3A_511 = arith.constant 64 : index
        %get3A_512 = tpu.vector_load %arg7[%get3A_510, %get3A_511] {strides = array<i32>} : memref<100x128xf32, #tpu.memory_space<vmem>>, vector<1x16xf32>,
        %get3A_513 = vector.shape_cast %get3A_512 : vector<1x16xf32> to vector<16xf32>
        %add3A_514 = arith.addf %add3A_472, %get3A_513 : vector<16xf32>
        %get3A_515 = arith.index_cast %scan3A_489 : i32 to index
        %get3A_516 = arith.constant 80 : index
        %get3A_517 = tpu.vector_load %arg7[%get3A_515, %get3A_516] {strides = array<i32>} : memref<100x128xf32, #tpu.memory_space<vmem>>, vector<1x16xf32>,
        %get3A_518 = vector.shape_cast %get3A_517 : vector<1x16xf32> to vector<16xf32>
        %add3A_519 = arith.addf %add3A_477, %get3A_518 : vector<16xf32>
        %get3A_520 = arith.index_cast %scan3A_489 : i32 to index
        %get3A_521 = arith.constant 96 : index
        %get3A_522 = tpu.vector_load %arg7[%get3A_520, %get3A_521] {strides = array<i32>} : memref<100x128xf32, #tpu.memory_space<vmem>>, vector<1x16xf32>,
        %get3A_523 = vector.shape_cast %get3A_522 : vector<1x16xf32> to vector<16xf32>
        %add3A_524 = arith.addf %add3A_482, %get3A_523 : vector<16xf32>
        %get3A_525 = arith.index_cast %scan3A_489 : i32 to index
        %get3A_526 = arith.constant 112 : index
        %get3A_527 = tpu.vector_load %arg7[%get3A_525, %get3A_526] {strides = array<i32>} : memref<100x128xf32, #tpu.memory_space<vmem>>, vector<1x16xf32>,
        %get3A_528 = vector.shape_cast %get3A_527 : vector<1x16xf32> to vector<16xf32>
        %add3A_529 = arith.addf %add3A_487, %get3A_528 : vector<16xf32>
        %scan3A_530 = arith.constant 2 : i32
        %scan3A_531 = arith.addi %scan3A_440, %scan3A_530 : i32
        %get3A_532 = arith.index_cast %scan3A_531 : i32 to index
        %get3A_533 = arith.constant 0 : index
        %get3A_534 = tpu.vector_load %arg7[%get3A_532, %get3A_533] {strides = array<i32>} : memref<100x128xf32, #tpu.memory_space<vmem>>, vector<1x16xf32>,
        %get3A_535 = vector.shape_cast %get3A_534 : vector<1x16xf32> to vector<16xf32>
        %add3A_536 = arith.addf %add3A_494, %get3A_535 : vector<16xf32>
        %get3A_537 = arith.index_cast %scan3A_531 : i32 to index
        %get3A_538 = arith.constant 16 : index
        %get3A_539 = tpu.vector_load %arg7[%get3A_537, %get3A_538] {strides = array<i32>} : memref<100x128xf32, #tpu.memory_space<vmem>>, vector<1x16xf32>,
        %get3A_540 = vector.shape_cast %get3A_539 : vector<1x16xf32> to vector<16xf32>
        %add3A_541 = arith.addf %add3A_499, %get3A_540 : vector<16xf32>
        %get3A_542 = arith.index_cast %scan3A_531 : i32 to index
        %get3A_543 = arith.constant 32 : index
        %get3A_544 = tpu.vector_load %arg7[%get3A_542, %get3A_543] {strides = array<i32>} : memref<100x128xf32, #tpu.memory_space<vmem>>, vector<1x16xf32>,
        %get3A_545 = vector.shape_cast %get3A_544 : vector<1x16xf32> to vector<16xf32>
        %add3A_546 = arith.addf %add3A_504, %get3A_545 : vector<16xf32>
        %get3A_547 = arith.index_cast %scan3A_531 : i32 to index
        %get3A_548 = arith.constant 48 : index
        %get3A_549 = tpu.vector_load %arg7[%get3A_547, %get3A_548] {strides = array<i32>} : memref<100x128xf32, #tpu.memory_space<vmem>>, vector<1x16xf32>,
        %get3A_550 = vector.shape_cast %get3A_549 : vector<1x16xf32> to vector<16xf32>
        %add3A_551 = arith.addf %add3A_509, %get3A_550 : vector<16xf32>
        %get3A_552 = arith.index_cast %scan3A_531 : i32 to index
        %get3A_553 = arith.constant 64 : index
        %get3A_554 = tpu.vector_load %arg7[%get3A_552, %get3A_553] {strides = array<i32>} : memref<100x128xf32, #tpu.memory_space<vmem>>, vector<1x16xf32>,
        %get3A_555 = vector.shape_cast %get3A_554 : vector<1x16xf32> to vector<16xf32>
        %add3A_556 = arith.addf %add3A_514, %get3A_555 : vector<16xf32>
        %get3A_557 = arith.index_cast %scan3A_531 : i32 to index
        %get3A_558 = arith.constant 80 : index
        %get3A_559 = tpu.vector_load %arg7[%get3A_557, %get3A_558] {strides = array<i32>} : memref<100x128xf32, #tpu.memory_space<vmem>>, vector<1x16xf32>,
        %get3A_560 = vector.shape_cast %get3A_559 : vector<1x16xf32> to vector<16xf32>
        %add3A_561 = arith.addf %add3A_519, %get3A_560 : vector<16xf32>
        %get3A_562 = arith.index_cast %scan3A_531 : i32 to index
        %get3A_563 = arith.constant 96 : index
        %get3A_564 = tpu.vector_load %arg7[%get3A_562, %get3A_563] {strides = array<i32>} : memref<100x128xf32, #tpu.memory_space<vmem>>, vector<1x16xf32>,
        %get3A_565 = vector.shape_cast %get3A_564 : vector<1x16xf32> to vector<16xf32>
        %add3A_566 = arith.addf %add3A_524, %get3A_565 : vector<16xf32>
        %get3A_567 = arith.index_cast %scan3A_531 : i32 to index
        %get3A_568 = arith.constant 112 : index
        %get3A_569 = tpu.vector_load %arg7[%get3A_567, %get3A_568] {strides = array<i32>} : memref<100x128xf32, #tpu.memory_space<vmem>>, vector<1x16xf32>,
        %get3A_570 = vector.shape_cast %get3A_569 : vector<1x16xf32> to vector<16xf32>
        %add3A_571 = arith.addf %add3A_529, %get3A_570 : vector<16xf32>
        %scan3A_572 = arith.constant 3 : i32
        %scan3A_573 = arith.addi %scan3A_440, %scan3A_572 : i32
        %get3A_574 = arith.index_cast %scan3A_573 : i32 to index
        %get3A_575 = arith.constant 0 : index
        %get3A_576 = tpu.vector_load %arg7[%get3A_574, %get3A_575] {strides = array<i32>} : memref<100x128xf32, #tpu.memory_space<vmem>>, vector<1x16xf32>,
        %get3A_577 = vector.shape_cast %get3A_576 : vector<1x16xf32> to vector<16xf32>
        %add3A_578 = arith.addf %add3A_536, %get3A_577 : vector<16xf32>
        %get3A_579 = arith.index_cast %scan3A_573 : i32 to index
        %get3A_580 = arith.constant 16 : index
        %get3A_581 = tpu.vector_load %arg7[%get3A_579, %get3A_580] {strides = array<i32>} : memref<100x128xf32, #tpu.memory_space<vmem>>, vector<1x16xf32>,
        %get3A_582 = vector.shape_cast %get3A_581 : vector<1x16xf32> to vector<16xf32>
        %add3A_583 = arith.addf %add3A_541, %get3A_582 : vector<16xf32>
        %get3A_584 = arith.index_cast %scan3A_573 : i32 to index
        %get3A_585 = arith.constant 32 : index
        %get3A_586 = tpu.vector_load %arg7[%get3A_584, %get3A_585] {strides = array<i32>} : memref<100x128xf32, #tpu.memory_space<vmem>>, vector<1x16xf32>,
        %get3A_587 = vector.shape_cast %get3A_586 : vector<1x16xf32> to vector<16xf32>
        %add3A_588 = arith.addf %add3A_546, %get3A_587 : vector<16xf32>
        %get3A_589 = arith.index_cast %scan3A_573 : i32 to index
        %get3A_590 = arith.constant 48 : index
        %get3A_591 = tpu.vector_load %arg7[%get3A_589, %get3A_590] {strides = array<i32>} : memref<100x128xf32, #tpu.memory_space<vmem>>, vector<1x16xf32>,
        %get3A_592 = vector.shape_cast %get3A_591 : vector<1x16xf32> to vector<16xf32>
        %add3A_593 = arith.addf %add3A_551, %get3A_592 : vector<16xf32>
        %get3A_594 = arith.index_cast %scan3A_573 : i32 to index
        %get3A_595 = arith.constant 64 : index
        %get3A_596 = tpu.vector_load %arg7[%get3A_594, %get3A_595] {strides = array<i32>} : memref<100x128xf32, #tpu.memory_space<vmem>>, vector<1x16xf32>,
        %get3A_597 = vector.shape_cast %get3A_596 : vector<1x16xf32> to vector<16xf32>
        %add3A_598 = arith.addf %add3A_556, %get3A_597 : vector<16xf32>
        %get3A_599 = arith.index_cast %scan3A_573 : i32 to index
        %get3A_600 = arith.constant 80 : index
        %get3A_601 = tpu.vector_load %arg7[%get3A_599, %get3A_600] {strides = array<i32>} : memref<100x128xf32, #tpu.memory_space<vmem>>, vector<1x16xf32>,
        %get3A_602 = vector.shape_cast %get3A_601 : vector<1x16xf32> to vector<16xf32>
        %add3A_603 = arith.addf %add3A_561, %get3A_602 : vector<16xf32>
        %get3A_604 = arith.index_cast %scan3A_573 : i32 to index
        %get3A_605 = arith.constant 96 : index
        %get3A_606 = tpu.vector_load %arg7[%get3A_604, %get3A_605] {strides = array<i32>} : memref<100x128xf32, #tpu.memory_space<vmem>>, vector<1x16xf32>,
        %get3A_607 = vector.shape_cast %get3A_606 : vector<1x16xf32> to vector<16xf32>
        %add3A_608 = arith.addf %add3A_566, %get3A_607 : vector<16xf32>
        %get3A_609 = arith.index_cast %scan3A_573 : i32 to index
        %get3A_610 = arith.constant 112 : index
        %get3A_611 = tpu.vector_load %arg7[%get3A_609, %get3A_610] {strides = array<i32>} : memref<100x128xf32, #tpu.memory_space<vmem>>, vector<1x16xf32>,
        %get3A_612 = vector.shape_cast %get3A_611 : vector<1x16xf32> to vector<16xf32>
        %add3A_613 = arith.addf %add3A_571, %get3A_612 : vector<16xf32>
        scf.yield %add3A_578, %add3A_583, %add3A_588, %add3A_593, %add3A_598, %add3A_603, %add3A_608, %add3A_613 : vector<16xf32>, vector<16xf32>, vector<16xf32>, vector<16xf32>, vector<16xf32>, vector<16xf32>, vector<16xf32>, vector<16xf32>
      }
      %scan3A_162 = arith.constant 100 : i32
      %jit3A_163 = arith.constant 2 : i32
      %div3A_164 = arith.divsi %add3A_132, %jit3A_163 : i32
      %sign3A_165 = arith.constant 0 : i32
      %sign3A_166 = arith.cmpi sgt, %add3A_132, %sign3A_165 : i32
      %sign3A_167 = arith.extui %sign3A_166 : i1 to i32
      %sign3A_168 = arith.constant 0 : i32
      %sign3A_169 = arith.cmpi slt, %add3A_132, %sign3A_168 : i32
      %sign3A_170 = arith.extui %sign3A_169 : i1 to i32
      %sign3A_171 = arith.subi %sign3A_167, %sign3A_170 : i32
      %sign3A_172 = arith.constant 0 : i32
      %sign3A_173 = arith.cmpi sgt, %jit3A_163, %sign3A_172 : i32
      %sign3A_174 = arith.extui %sign3A_173 : i1 to i32
      %sign3A_175 = arith.constant 0 : i32
      %sign3A_176 = arith.cmpi slt, %jit3A_163, %sign3A_175 : i32
      %sign3A_177 = arith.extui %sign3A_176 : i1 to i32
      %sign3A_178 = arith.subi %sign3A_174, %sign3A_177 : i32
      %ne3A_179 = arith.cmpi ne, %sign3A_171, %sign3A_178 : i32
      %rem3A_180 = arith.remsi %add3A_132, %jit3A_163 : i32
      %ne3A_181 = arith.constant 0 : i32
      %ne3A_182 = arith.cmpi ne, %rem3A_180, %ne3A_181 : i32
      %and3A_183 = arith.andi %ne3A_179, %ne3A_182 : i1
      %sub3A_184 = arith.constant 1 : i32
      %sub3A_185 = arith.subi %div3A_164, %sub3A_184 : i32
      %select_n3A_186 = arith.select %and3A_183, %sub3A_185, %div3A_164 : i32
      %swap3A_187 = arith.index_cast %select_n3A_186 : i32 to index
      %swap3A_188 = arith.constant 0 : index
      %swap3A_189 = tpu.vector_load %arg10[%swap3A_187, %swap3A_188] {strides = array<i32>} : memref<128x128xf32, #tpu.memory_space<vmem>>, vector<1x16xf32>,
      %swap3A_190 = vector.shape_cast %swap3A_189 : vector<1x16xf32> to vector<16xf32>
      %swap3A_191 = vector.shape_cast %scan3A_161#0 : vector<16xf32> to vector<1x16xf32>
      tpu.vector_store %arg10[%swap3A_187, %swap3A_188], %swap3A_191 {add = true, strides = array<i32>} : memref<128x128xf32, #tpu.memory_space<vmem>>, vector<1x16xf32>,
      %swap3A_192 = arith.index_cast %select_n3A_186 : i32 to index
      %swap3A_193 = arith.constant 16 : index
      %swap3A_194 = tpu.vector_load %arg10[%swap3A_192, %swap3A_193] {strides = array<i32>} : memref<128x128xf32, #tpu.memory_space<vmem>>, vector<1x16xf32>,
      %swap3A_195 = vector.shape_cast %swap3A_194 : vector<1x16xf32> to vector<16xf32>
      %swap3A_196 = vector.shape_cast %scan3A_161#1 : vector<16xf32> to vector<1x16xf32>
      tpu.vector_store %arg10[%swap3A_192, %swap3A_193], %swap3A_196 {add = true, strides = array<i32>} : memref<128x128xf32, #tpu.memory_space<vmem>>, vector<1x16xf32>,
      %swap3A_197 = arith.index_cast %select_n3A_186 : i32 to index
      %swap3A_198 = arith.constant 32 : index
      %swap3A_199 = tpu.vector_load %arg10[%swap3A_197, %swap3A_198] {strides = array<i32>} : memref<128x128xf32, #tpu.memory_space<vmem>>, vector<1x16xf32>,
      %swap3A_200 = vector.shape_cast %swap3A_199 : vector<1x16xf32> to vector<16xf32>
      %swap3A_201 = vector.shape_cast %scan3A_161#2 : vector<16xf32> to vector<1x16xf32>
      tpu.vector_store %arg10[%swap3A_197, %swap3A_198], %swap3A_201 {add = true, strides = array<i32>} : memref<128x128xf32, #tpu.memory_space<vmem>>, vector<1x16xf32>,
      %swap3A_202 = arith.index_cast %select_n3A_186 : i32 to index
      %swap3A_203 = arith.constant 48 : index
      %swap3A_204 = tpu.vector_load %arg10[%swap3A_202, %swap3A_203] {strides = array<i32>} : memref<128x128xf32, #tpu.memory_space<vmem>>, vector<1x16xf32>,
      %swap3A_205 = vector.shape_cast %swap3A_204 : vector<1x16xf32> to vector<16xf32>
      %swap3A_206 = vector.shape_cast %scan3A_161#3 : vector<16xf32> to vector<1x16xf32>
      tpu.vector_store %arg10[%swap3A_202, %swap3A_203], %swap3A_206 {add = true, strides = array<i32>} : memref<128x128xf32, #tpu.memory_space<vmem>>, vector<1x16xf32>,
      %swap3A_207 = arith.index_cast %select_n3A_186 : i32 to index
      %swap3A_208 = arith.constant 64 : index
      %swap3A_209 = tpu.vector_load %arg10[%swap3A_207, %swap3A_208] {strides = array<i32>} : memref<128x128xf32, #tpu.memory_space<vmem>>, vector<1x16xf32>,
      %swap3A_210 = vector.shape_cast %swap3A_209 : vector<1x16xf32> to vector<16xf32>
      %swap3A_211 = vector.shape_cast %scan3A_161#4 : vector<16xf32> to vector<1x16xf32>
      tpu.vector_store %arg10[%swap3A_207, %swap3A_208], %swap3A_211 {add = true, strides = array<i32>} : memref<128x128xf32, #tpu.memory_space<vmem>>, vector<1x16xf32>,
      %swap3A_212 = arith.index_cast %select_n3A_186 : i32 to index
      %swap3A_213 = arith.constant 80 : index
      %swap3A_214 = tpu.vector_load %arg10[%swap3A_212, %swap3A_213] {strides = array<i32>} : memref<128x128xf32, #tpu.memory_space<vmem>>, vector<1x16xf32>,
      %swap3A_215 = vector.shape_cast %swap3A_214 : vector<1x16xf32> to vector<16xf32>
      %swap3A_216 = vector.shape_cast %scan3A_161#5 : vector<16xf32> to vector<1x16xf32>
      tpu.vector_store %arg10[%swap3A_212, %swap3A_213], %swap3A_216 {add = true, strides = array<i32>} : memref<128x128xf32, #tpu.memory_space<vmem>>, vector<1x16xf32>,
      %swap3A_217 = arith.index_cast %select_n3A_186 : i32 to index
      %swap3A_218 = arith.constant 96 : index
      %swap3A_219 = tpu.vector_load %arg10[%swap3A_217, %swap3A_218] {strides = array<i32>} : memref<128x128xf32, #tpu.memory_space<vmem>>, vector<1x16xf32>,
      %swap3A_220 = vector.shape_cast %swap3A_219 : vector<1x16xf32> to vector<16xf32>
      %swap3A_221 = vector.shape_cast %scan3A_161#6 : vector<16xf32> to vector<1x16xf32>
      tpu.vector_store %arg10[%swap3A_217, %swap3A_218], %swap3A_221 {add = true, strides = array<i32>} : memref<128x128xf32, #tpu.memory_space<vmem>>, vector<1x16xf32>,
      %swap3A_222 = arith.index_cast %select_n3A_186 : i32 to index
      %swap3A_223 = arith.constant 112 : index
      %swap3A_224 = tpu.vector_load %arg10[%swap3A_222, %swap3A_223] {strides = array<i32>} : memref<128x128xf32, #tpu.memory_space<vmem>>, vector<1x16xf32>,
      %swap3A_225 = vector.shape_cast %swap3A_224 : vector<1x16xf32> to vector<16xf32>
      %swap3A_226 = vector.shape_cast %scan3A_161#7 : vector<16xf32> to vector<1x16xf32>
      tpu.vector_store %arg10[%swap3A_222, %swap3A_223], %swap3A_226 {add = true, strides = array<i32>} : memref<128x128xf32, #tpu.memory_space<vmem>>, vector<1x16xf32>,
      %add3A_227 = arith.constant 4 : i32
      %add3A_228 = arith.addi %add3A_132, %add3A_227 : i32
      %lt3A_229 = arith.constant 256 : i32
      %lt3A_230 = arith.cmpi slt, %add3A_228, %lt3A_229 : i32
      %convert_element_type3A_231 = arith.extui %lt3A_230 : i1 to i32
      %cond3A_232 = arith.constant 0 : i32
      %cond3A_233 = arith.cmpi ne, %convert_element_type3A_231, %cond3A_232 : i32
      scf.if %cond3A_233 {
        %jit3A_440 = arith.constant 2 : i32
        %div3A_441 = arith.divsi %add3A_228, %jit3A_440 : i32
        %sign3A_442 = arith.constant 0 : i32
        %sign3A_443 = arith.cmpi sgt, %add3A_228, %sign3A_442 : i32
        %sign3A_444 = arith.extui %sign3A_443 : i1 to i32
        %sign3A_445 = arith.constant 0 : i32
        %sign3A_446 = arith.cmpi slt, %add3A_228, %sign3A_445 : i32
        %sign3A_447 = arith.extui %sign3A_446 : i1 to i32
        %sign3A_448 = arith.subi %sign3A_444, %sign3A_447 : i32
        %sign3A_449 = arith.constant 0 : i32
        %sign3A_450 = arith.cmpi sgt, %jit3A_440, %sign3A_449 : i32
        %sign3A_451 = arith.extui %sign3A_450 : i1 to i32
        %sign3A_452 = arith.constant 0 : i32
        %sign3A_453 = arith.cmpi slt, %jit3A_440, %sign3A_452 : i32
        %sign3A_454 = arith.extui %sign3A_453 : i1 to i32
        %sign3A_455 = arith.subi %sign3A_451, %sign3A_454 : i32
        %ne3A_456 = arith.cmpi ne, %sign3A_448, %sign3A_455 : i32
        %rem3A_457 = arith.remsi %add3A_228, %jit3A_440 : i32
        %ne3A_458 = arith.constant 0 : i32
        %ne3A_459 = arith.cmpi ne, %rem3A_457, %ne3A_458 : i32
        %and3A_460 = arith.andi %ne3A_456, %ne3A_459 : i1
        %sub3A_461 = arith.constant 1 : i32
        %sub3A_462 = arith.subi %div3A_441, %sub3A_461 : i32
        %select_n3A_463 = arith.select %and3A_460, %sub3A_462, %div3A_441 : i32
        %dma_start3A_464 = arith.constant 1 : i32
        %dma_start3A_465 = arith.constant 0 : i32
        %dma_start3A_466 = tpu.memref_slice %arg5[%select_n3A_463, %dma_start3A_464, %dma_start3A_465] : memref<128x2x100xi32, #tpu.memory_space<vmem>> -> memref<1x1x100xi32, #tpu.memory_space<vmem>>
        %dma_start3A_467 = tpu.memref_squeeze %dma_start3A_466 : memref<1x1x100xi32, #tpu.memory_space<vmem>> -> memref<100xi32, #tpu.memory_space<vmem>>
        %dma_start3A_468 = arith.constant 0 : i32
        %dma_start3A_469 = arith.constant 0 : i32
        %dma_start3A_470 = tpu.memref_slice %arg3[%dma_start3A_468, %dma_start3A_469] : memref<100000x128xf32, #tpu.memory_space<hbm>> -> memref<100000x128xf32, #tpu.memory_space<hbm>>
        tpu.enqueue_indirect_dma source(%dma_start3A_470 : memref<100000x128xf32, #tpu.memory_space<hbm>>) target(%arg7 : memref<100x128xf32, #tpu.memory_space<vmem>>) offsets(%dma_start3A_467 : memref<100xi32, #tpu.memory_space<vmem>>) semaphore(%arg12 : memref<!tpu.dma_semaphore, #tpu.memory_space<semaphore_mem>>)
      } else {
      }
      %add3A_234 = arith.constant 2 : i32
      %add3A_235 = arith.addi %mul3A_41, %add3A_234 : i32
      %dma_wait3A_236 = arith.constant 0 : i32
      %dma_wait3A_237 = arith.constant 0 : i32
      %dma_wait3A_238 = arith.constant 0 : i32
      %dma_wait3A_239 = tpu.memref_slice %arg5[%dma_wait3A_236, %dma_wait3A_237, %dma_wait3A_238] : memref<128x2x100xi32, #tpu.memory_space<vmem>> -> memref<1x1x100xi32, #tpu.memory_space<vmem>>
      %dma_wait3A_240 = tpu.memref_squeeze %dma_wait3A_239 : memref<1x1x100xi32, #tpu.memory_space<vmem>> -> memref<100xi32, #tpu.memory_space<vmem>>
      %dma_wait3A_241 = arith.constant 0 : i32
      %dma_wait3A_242 = arith.constant 0 : i32
      %dma_wait3A_243 = tpu.memref_slice %arg3[%dma_wait3A_241, %dma_wait3A_242] : memref<100000x128xf32, #tpu.memory_space<hbm>> -> memref<100000x128xf32, #tpu.memory_space<hbm>>
      tpu.wait_indirect_dma semaphore(%arg13 : memref<!tpu.dma_semaphore, #tpu.memory_space<semaphore_mem>>) src(%dma_wait3A_243 : memref<100000x128xf32, #tpu.memory_space<hbm>>) dst(%arg8 : memref<100x128xf32, #tpu.memory_space<vmem>>)
      %broadcast_in_dim3A_244 = arith.constant 0.000000e+00 : f32
      %broadcast_in_dim3A_245 = vector.broadcast %broadcast_in_dim3A_244 : f32 to vector<16xf32>
      %broadcast_in_dim3A_246 = arith.constant 0.000000e+00 : f32
      %broadcast_in_dim3A_247 = vector.broadcast %broadcast_in_dim3A_246 : f32 to vector<16xf32>
      %broadcast_in_dim3A_248 = arith.constant 0.000000e+00 : f32
      %broadcast_in_dim3A_249 = vector.broadcast %broadcast_in_dim3A_248 : f32 to vector<16xf32>
      %broadcast_in_dim3A_250 = arith.constant 0.000000e+00 : f32
      %broadcast_in_dim3A_251 = vector.broadcast %broadcast_in_dim3A_250 : f32 to vector<16xf32>
      %broadcast_in_dim3A_252 = arith.constant 0.000000e+00 : f32
      %broadcast_in_dim3A_253 = vector.broadcast %broadcast_in_dim3A_252 : f32 to vector<16xf32>
      %broadcast_in_dim3A_254 = arith.constant 0.000000e+00 : f32
      %broadcast_in_dim3A_255 = vector.broadcast %broadcast_in_dim3A_254 : f32 to vector<16xf32>
      %broadcast_in_dim3A_256 = arith.constant 0.000000e+00 : f32
      %broadcast_in_dim3A_257 = vector.broadcast %broadcast_in_dim3A_256 : f32 to vector<16xf32>
      %broadcast_in_dim3A_258 = arith.constant 0.000000e+00 : f32
      %broadcast_in_dim3A_259 = vector.broadcast %broadcast_in_dim3A_258 : f32 to vector<16xf32>
      %scan3A_260 = arith.constant 0 : i32
      %scan3A_261 = arith.constant 100 : i32
      %scan3A_262 = arith.addi %scan3A_260, %scan3A_261 : i32
      %scan3A_263 = arith.constant 4 : i32
      %scan3A_264:8 = scf.for %scan3A_440 = %scan3A_260 to %scan3A_262 step %scan3A_263 iter_args(%scan3A_441 = %broadcast_in_dim3A_245, %scan3A_442 = %broadcast_in_dim3A_247, %scan3A_443 = %broadcast_in_dim3A_249, %scan3A_444 = %broadcast_in_dim3A_251, %scan3A_445 = %broadcast_in_dim3A_253, %scan3A_446 = %broadcast_in_dim3A_255, %scan3A_447 = %broadcast_in_dim3A_257, %scan3A_448 = %broadcast_in_dim3A_259) -> (vector<16xf32>, vector<16xf32>, vector<16xf32>, vector<16xf32>, vector<16xf32>, vector<16xf32>, vector<16xf32>, vector<16xf32>)  : i32 {
        %get3A = arith.index_cast %scan3A_440 : i32 to index
        %get3A_449 = arith.constant 0 : index
        %get3A_450 = tpu.vector_load %arg8[%get3A, %get3A_449] {strides = array<i32>} : memref<100x128xf32, #tpu.memory_space<vmem>>, vector<1x16xf32>,
        %get3A_451 = vector.shape_cast %get3A_450 : vector<1x16xf32> to vector<16xf32>
        %add3A_452 = arith.addf %scan3A_441, %get3A_451 : vector<16xf32>
        %get3A_453 = arith.index_cast %scan3A_440 : i32 to index
        %get3A_454 = arith.constant 16 : index
        %get3A_455 = tpu.vector_load %arg8[%get3A_453, %get3A_454] {strides = array<i32>} : memref<100x128xf32, #tpu.memory_space<vmem>>, vector<1x16xf32>,
        %get3A_456 = vector.shape_cast %get3A_455 : vector<1x16xf32> to vector<16xf32>
        %add3A_457 = arith.addf %scan3A_442, %get3A_456 : vector<16xf32>
        %get3A_458 = arith.index_cast %scan3A_440 : i32 to index
        %get3A_459 = arith.constant 32 : index
        %get3A_460 = tpu.vector_load %arg8[%get3A_458, %get3A_459] {strides = array<i32>} : memref<100x128xf32, #tpu.memory_space<vmem>>, vector<1x16xf32>,
        %get3A_461 = vector.shape_cast %get3A_460 : vector<1x16xf32> to vector<16xf32>
        %add3A_462 = arith.addf %scan3A_443, %get3A_461 : vector<16xf32>
        %get3A_463 = arith.index_cast %scan3A_440 : i32 to index
        %get3A_464 = arith.constant 48 : index
        %get3A_465 = tpu.vector_load %arg8[%get3A_463, %get3A_464] {strides = array<i32>} : memref<100x128xf32, #tpu.memory_space<vmem>>, vector<1x16xf32>,
        %get3A_466 = vector.shape_cast %get3A_465 : vector<1x16xf32> to vector<16xf32>
        %add3A_467 = arith.addf %scan3A_444, %get3A_466 : vector<16xf32>
        %get3A_468 = arith.index_cast %scan3A_440 : i32 to index
        %get3A_469 = arith.constant 64 : index
        %get3A_470 = tpu.vector_load %arg8[%get3A_468, %get3A_469] {strides = array<i32>} : memref<100x128xf32, #tpu.memory_space<vmem>>, vector<1x16xf32>,
        %get3A_471 = vector.shape_cast %get3A_470 : vector<1x16xf32> to vector<16xf32>
        %add3A_472 = arith.addf %scan3A_445, %get3A_471 : vector<16xf32>
        %get3A_473 = arith.index_cast %scan3A_440 : i32 to index
        %get3A_474 = arith.constant 80 : index
        %get3A_475 = tpu.vector_load %arg8[%get3A_473, %get3A_474] {strides = array<i32>} : memref<100x128xf32, #tpu.memory_space<vmem>>, vector<1x16xf32>,
        %get3A_476 = vector.shape_cast %get3A_475 : vector<1x16xf32> to vector<16xf32>
        %add3A_477 = arith.addf %scan3A_446, %get3A_476 : vector<16xf32>
        %get3A_478 = arith.index_cast %scan3A_440 : i32 to index
        %get3A_479 = arith.constant 96 : index
        %get3A_480 = tpu.vector_load %arg8[%get3A_478, %get3A_479] {strides = array<i32>} : memref<100x128xf32, #tpu.memory_space<vmem>>, vector<1x16xf32>,
        %get3A_481 = vector.shape_cast %get3A_480 : vector<1x16xf32> to vector<16xf32>
        %add3A_482 = arith.addf %scan3A_447, %get3A_481 : vector<16xf32>
        %get3A_483 = arith.index_cast %scan3A_440 : i32 to index
        %get3A_484 = arith.constant 112 : index
        %get3A_485 = tpu.vector_load %arg8[%get3A_483, %get3A_484] {strides = array<i32>} : memref<100x128xf32, #tpu.memory_space<vmem>>, vector<1x16xf32>,
        %get3A_486 = vector.shape_cast %get3A_485 : vector<1x16xf32> to vector<16xf32>
        %add3A_487 = arith.addf %scan3A_448, %get3A_486 : vector<16xf32>
        %scan3A_488 = arith.constant 1 : i32
        %scan3A_489 = arith.addi %scan3A_440, %scan3A_488 : i32
        %get3A_490 = arith.index_cast %scan3A_489 : i32 to index
        %get3A_491 = arith.constant 0 : index
        %get3A_492 = tpu.vector_load %arg8[%get3A_490, %get3A_491] {strides = array<i32>} : memref<100x128xf32, #tpu.memory_space<vmem>>, vector<1x16xf32>,
        %get3A_493 = vector.shape_cast %get3A_492 : vector<1x16xf32> to vector<16xf32>
        %add3A_494 = arith.addf %add3A_452, %get3A_493 : vector<16xf32>
        %get3A_495 = arith.index_cast %scan3A_489 : i32 to index
        %get3A_496 = arith.constant 16 : index
        %get3A_497 = tpu.vector_load %arg8[%get3A_495, %get3A_496] {strides = array<i32>} : memref<100x128xf32, #tpu.memory_space<vmem>>, vector<1x16xf32>,
        %get3A_498 = vector.shape_cast %get3A_497 : vector<1x16xf32> to vector<16xf32>
        %add3A_499 = arith.addf %add3A_457, %get3A_498 : vector<16xf32>
        %get3A_500 = arith.index_cast %scan3A_489 : i32 to index
        %get3A_501 = arith.constant 32 : index
        %get3A_502 = tpu.vector_load %arg8[%get3A_500, %get3A_501] {strides = array<i32>} : memref<100x128xf32, #tpu.memory_space<vmem>>, vector<1x16xf32>,
        %get3A_503 = vector.shape_cast %get3A_502 : vector<1x16xf32> to vector<16xf32>
        %add3A_504 = arith.addf %add3A_462, %get3A_503 : vector<16xf32>
        %get3A_505 = arith.index_cast %scan3A_489 : i32 to index
        %get3A_506 = arith.constant 48 : index
        %get3A_507 = tpu.vector_load %arg8[%get3A_505, %get3A_506] {strides = array<i32>} : memref<100x128xf32, #tpu.memory_space<vmem>>, vector<1x16xf32>,
        %get3A_508 = vector.shape_cast %get3A_507 : vector<1x16xf32> to vector<16xf32>
        %add3A_509 = arith.addf %add3A_467, %get3A_508 : vector<16xf32>
        %get3A_510 = arith.index_cast %scan3A_489 : i32 to index
        %get3A_511 = arith.constant 64 : index
        %get3A_512 = tpu.vector_load %arg8[%get3A_510, %get3A_511] {strides = array<i32>} : memref<100x128xf32, #tpu.memory_space<vmem>>, vector<1x16xf32>,
        %get3A_513 = vector.shape_cast %get3A_512 : vector<1x16xf32> to vector<16xf32>
        %add3A_514 = arith.addf %add3A_472, %get3A_513 : vector<16xf32>
        %get3A_515 = arith.index_cast %scan3A_489 : i32 to index
        %get3A_516 = arith.constant 80 : index
        %get3A_517 = tpu.vector_load %arg8[%get3A_515, %get3A_516] {strides = array<i32>} : memref<100x128xf32, #tpu.memory_space<vmem>>, vector<1x16xf32>,
        %get3A_518 = vector.shape_cast %get3A_517 : vector<1x16xf32> to vector<16xf32>
        %add3A_519 = arith.addf %add3A_477, %get3A_518 : vector<16xf32>
        %get3A_520 = arith.index_cast %scan3A_489 : i32 to index
        %get3A_521 = arith.constant 96 : index
        %get3A_522 = tpu.vector_load %arg8[%get3A_520, %get3A_521] {strides = array<i32>} : memref<100x128xf32, #tpu.memory_space<vmem>>, vector<1x16xf32>,
        %get3A_523 = vector.shape_cast %get3A_522 : vector<1x16xf32> to vector<16xf32>
        %add3A_524 = arith.addf %add3A_482, %get3A_523 : vector<16xf32>
        %get3A_525 = arith.index_cast %scan3A_489 : i32 to index
        %get3A_526 = arith.constant 112 : index
        %get3A_527 = tpu.vector_load %arg8[%get3A_525, %get3A_526] {strides = array<i32>} : memref<100x128xf32, #tpu.memory_space<vmem>>, vector<1x16xf32>,
        %get3A_528 = vector.shape_cast %get3A_527 : vector<1x16xf32> to vector<16xf32>
        %add3A_529 = arith.addf %add3A_487, %get3A_528 : vector<16xf32>
        %scan3A_530 = arith.constant 2 : i32
        %scan3A_531 = arith.addi %scan3A_440, %scan3A_530 : i32
        %get3A_532 = arith.index_cast %scan3A_531 : i32 to index
        %get3A_533 = arith.constant 0 : index
        %get3A_534 = tpu.vector_load %arg8[%get3A_532, %get3A_533] {strides = array<i32>} : memref<100x128xf32, #tpu.memory_space<vmem>>, vector<1x16xf32>,
        %get3A_535 = vector.shape_cast %get3A_534 : vector<1x16xf32> to vector<16xf32>
        %add3A_536 = arith.addf %add3A_494, %get3A_535 : vector<16xf32>
        %get3A_537 = arith.index_cast %scan3A_531 : i32 to index
        %get3A_538 = arith.constant 16 : index
        %get3A_539 = tpu.vector_load %arg8[%get3A_537, %get3A_538] {strides = array<i32>} : memref<100x128xf32, #tpu.memory_space<vmem>>, vector<1x16xf32>,
        %get3A_540 = vector.shape_cast %get3A_539 : vector<1x16xf32> to vector<16xf32>
        %add3A_541 = arith.addf %add3A_499, %get3A_540 : vector<16xf32>
        %get3A_542 = arith.index_cast %scan3A_531 : i32 to index
        %get3A_543 = arith.constant 32 : index
        %get3A_544 = tpu.vector_load %arg8[%get3A_542, %get3A_543] {strides = array<i32>} : memref<100x128xf32, #tpu.memory_space<vmem>>, vector<1x16xf32>,
        %get3A_545 = vector.shape_cast %get3A_544 : vector<1x16xf32> to vector<16xf32>
        %add3A_546 = arith.addf %add3A_504, %get3A_545 : vector<16xf32>
        %get3A_547 = arith.index_cast %scan3A_531 : i32 to index
        %get3A_548 = arith.constant 48 : index
        %get3A_549 = tpu.vector_load %arg8[%get3A_547, %get3A_548] {strides = array<i32>} : memref<100x128xf32, #tpu.memory_space<vmem>>, vector<1x16xf32>,
        %get3A_550 = vector.shape_cast %get3A_549 : vector<1x16xf32> to vector<16xf32>
        %add3A_551 = arith.addf %add3A_509, %get3A_550 : vector<16xf32>
        %get3A_552 = arith.index_cast %scan3A_531 : i32 to index
        %get3A_553 = arith.constant 64 : index
        %get3A_554 = tpu.vector_load %arg8[%get3A_552, %get3A_553] {strides = array<i32>} : memref<100x128xf32, #tpu.memory_space<vmem>>, vector<1x16xf32>,
        %get3A_555 = vector.shape_cast %get3A_554 : vector<1x16xf32> to vector<16xf32>
        %add3A_556 = arith.addf %add3A_514, %get3A_555 : vector<16xf32>
        %get3A_557 = arith.index_cast %scan3A_531 : i32 to index
        %get3A_558 = arith.constant 80 : index
        %get3A_559 = tpu.vector_load %arg8[%get3A_557, %get3A_558] {strides = array<i32>} : memref<100x128xf32, #tpu.memory_space<vmem>>, vector<1x16xf32>,
        %get3A_560 = vector.shape_cast %get3A_559 : vector<1x16xf32> to vector<16xf32>
        %add3A_561 = arith.addf %add3A_519, %get3A_560 : vector<16xf32>
        %get3A_562 = arith.index_cast %scan3A_531 : i32 to index
        %get3A_563 = arith.constant 96 : index
        %get3A_564 = tpu.vector_load %arg8[%get3A_562, %get3A_563] {strides = array<i32>} : memref<100x128xf32, #tpu.memory_space<vmem>>, vector<1x16xf32>,
        %get3A_565 = vector.shape_cast %get3A_564 : vector<1x16xf32> to vector<16xf32>
        %add3A_566 = arith.addf %add3A_524, %get3A_565 : vector<16xf32>
        %get3A_567 = arith.index_cast %scan3A_531 : i32 to index
        %get3A_568 = arith.constant 112 : index
        %get3A_569 = tpu.vector_load %arg8[%get3A_567, %get3A_568] {strides = array<i32>} : memref<100x128xf32, #tpu.memory_space<vmem>>, vector<1x16xf32>,
        %get3A_570 = vector.shape_cast %get3A_569 : vector<1x16xf32> to vector<16xf32>
        %add3A_571 = arith.addf %add3A_529, %get3A_570 : vector<16xf32>
        %scan3A_572 = arith.constant 3 : i32
        %scan3A_573 = arith.addi %scan3A_440, %scan3A_572 : i32
        %get3A_574 = arith.index_cast %scan3A_573 : i32 to index
        %get3A_575 = arith.constant 0 : index
        %get3A_576 = tpu.vector_load %arg8[%get3A_574, %get3A_575] {strides = array<i32>} : memref<100x128xf32, #tpu.memory_space<vmem>>, vector<1x16xf32>,
        %get3A_577 = vector.shape_cast %get3A_576 : vector<1x16xf32> to vector<16xf32>
        %add3A_578 = arith.addf %add3A_536, %get3A_577 : vector<16xf32>
        %get3A_579 = arith.index_cast %scan3A_573 : i32 to index
        %get3A_580 = arith.constant 16 : index
        %get3A_581 = tpu.vector_load %arg8[%get3A_579, %get3A_580] {strides = array<i32>} : memref<100x128xf32, #tpu.memory_space<vmem>>, vector<1x16xf32>,
        %get3A_582 = vector.shape_cast %get3A_581 : vector<1x16xf32> to vector<16xf32>
        %add3A_583 = arith.addf %add3A_541, %get3A_582 : vector<16xf32>
        %get3A_584 = arith.index_cast %scan3A_573 : i32 to index
        %get3A_585 = arith.constant 32 : index
        %get3A_586 = tpu.vector_load %arg8[%get3A_584, %get3A_585] {strides = array<i32>} : memref<100x128xf32, #tpu.memory_space<vmem>>, vector<1x16xf32>,
        %get3A_587 = vector.shape_cast %get3A_586 : vector<1x16xf32> to vector<16xf32>
        %add3A_588 = arith.addf %add3A_546, %get3A_587 : vector<16xf32>
        %get3A_589 = arith.index_cast %scan3A_573 : i32 to index
        %get3A_590 = arith.constant 48 : index
        %get3A_591 = tpu.vector_load %arg8[%get3A_589, %get3A_590] {strides = array<i32>} : memref<100x128xf32, #tpu.memory_space<vmem>>, vector<1x16xf32>,
        %get3A_592 = vector.shape_cast %get3A_591 : vector<1x16xf32> to vector<16xf32>
        %add3A_593 = arith.addf %add3A_551, %get3A_592 : vector<16xf32>
        %get3A_594 = arith.index_cast %scan3A_573 : i32 to index
        %get3A_595 = arith.constant 64 : index
        %get3A_596 = tpu.vector_load %arg8[%get3A_594, %get3A_595] {strides = array<i32>} : memref<100x128xf32, #tpu.memory_space<vmem>>, vector<1x16xf32>,
        %get3A_597 = vector.shape_cast %get3A_596 : vector<1x16xf32> to vector<16xf32>
        %add3A_598 = arith.addf %add3A_556, %get3A_597 : vector<16xf32>
        %get3A_599 = arith.index_cast %scan3A_573 : i32 to index
        %get3A_600 = arith.constant 80 : index
        %get3A_601 = tpu.vector_load %arg8[%get3A_599, %get3A_600] {strides = array<i32>} : memref<100x128xf32, #tpu.memory_space<vmem>>, vector<1x16xf32>,
        %get3A_602 = vector.shape_cast %get3A_601 : vector<1x16xf32> to vector<16xf32>
        %add3A_603 = arith.addf %add3A_561, %get3A_602 : vector<16xf32>
        %get3A_604 = arith.index_cast %scan3A_573 : i32 to index
        %get3A_605 = arith.constant 96 : index
        %get3A_606 = tpu.vector_load %arg8[%get3A_604, %get3A_605] {strides = array<i32>} : memref<100x128xf32, #tpu.memory_space<vmem>>, vector<1x16xf32>,
        %get3A_607 = vector.shape_cast %get3A_606 : vector<1x16xf32> to vector<16xf32>
        %add3A_608 = arith.addf %add3A_566, %get3A_607 : vector<16xf32>
        %get3A_609 = arith.index_cast %scan3A_573 : i32 to index
        %get3A_610 = arith.constant 112 : index
        %get3A_611 = tpu.vector_load %arg8[%get3A_609, %get3A_610] {strides = array<i32>} : memref<100x128xf32, #tpu.memory_space<vmem>>, vector<1x16xf32>,
        %get3A_612 = vector.shape_cast %get3A_611 : vector<1x16xf32> to vector<16xf32>
        %add3A_613 = arith.addf %add3A_571, %get3A_612 : vector<16xf32>
        scf.yield %add3A_578, %add3A_583, %add3A_588, %add3A_593, %add3A_598, %add3A_603, %add3A_608, %add3A_613 : vector<16xf32>, vector<16xf32>, vector<16xf32>, vector<16xf32>, vector<16xf32>, vector<16xf32>, vector<16xf32>, vector<16xf32>
      }
      %scan3A_265 = arith.constant 100 : i32
      %jit3A_266 = arith.constant 2 : i32
      %div3A_267 = arith.divsi %add3A_235, %jit3A_266 : i32
      %sign3A_268 = arith.constant 0 : i32
      %sign3A_269 = arith.cmpi sgt, %add3A_235, %sign3A_268 : i32
      %sign3A_270 = arith.extui %sign3A_269 : i1 to i32
      %sign3A_271 = arith.constant 0 : i32
      %sign3A_272 = arith.cmpi slt, %add3A_235, %sign3A_271 : i32
      %sign3A_273 = arith.extui %sign3A_272 : i1 to i32
      %sign3A_274 = arith.subi %sign3A_270, %sign3A_273 : i32
      %sign3A_275 = arith.constant 0 : i32
      %sign3A_276 = arith.cmpi sgt, %jit3A_266, %sign3A_275 : i32
      %sign3A_277 = arith.extui %sign3A_276 : i1 to i32
      %sign3A_278 = arith.constant 0 : i32
      %sign3A_279 = arith.cmpi slt, %jit3A_266, %sign3A_278 : i32
      %sign3A_280 = arith.extui %sign3A_279 : i1 to i32
      %sign3A_281 = arith.subi %sign3A_277, %sign3A_280 : i32
      %ne3A_282 = arith.cmpi ne, %sign3A_274, %sign3A_281 : i32
      %rem3A_283 = arith.remsi %add3A_235, %jit3A_266 : i32
      %ne3A_284 = arith.constant 0 : i32
      %ne3A_285 = arith.cmpi ne, %rem3A_283, %ne3A_284 : i32
      %and3A_286 = arith.andi %ne3A_282, %ne3A_285 : i1
      %sub3A_287 = arith.constant 1 : i32
      %sub3A_288 = arith.subi %div3A_267, %sub3A_287 : i32
      %select_n3A_289 = arith.select %and3A_286, %sub3A_288, %div3A_267 : i32
      %swap3A_290 = arith.index_cast %select_n3A_289 : i32 to index
      %swap3A_291 = arith.constant 0 : index
      %swap3A_292 = tpu.vector_load %arg10[%swap3A_290, %swap3A_291] {strides = array<i32>} : memref<128x128xf32, #tpu.memory_space<vmem>>, vector<1x16xf32>,
      %swap3A_293 = vector.shape_cast %swap3A_292 : vector<1x16xf32> to vector<16xf32>
      %swap3A_294 = vector.shape_cast %scan3A_264#0 : vector<16xf32> to vector<1x16xf32>
      tpu.vector_store %arg10[%swap3A_290, %swap3A_291], %swap3A_294 {strides = array<i32>} : memref<128x128xf32, #tpu.memory_space<vmem>>, vector<1x16xf32>,
      %swap3A_295 = arith.index_cast %select_n3A_289 : i32 to index
      %swap3A_296 = arith.constant 16 : index
      %swap3A_297 = tpu.vector_load %arg10[%swap3A_295, %swap3A_296] {strides = array<i32>} : memref<128x128xf32, #tpu.memory_space<vmem>>, vector<1x16xf32>,
      %swap3A_298 = vector.shape_cast %swap3A_297 : vector<1x16xf32> to vector<16xf32>
      %swap3A_299 = vector.shape_cast %scan3A_264#1 : vector<16xf32> to vector<1x16xf32>
      tpu.vector_store %arg10[%swap3A_295, %swap3A_296], %swap3A_299 {strides = array<i32>} : memref<128x128xf32, #tpu.memory_space<vmem>>, vector<1x16xf32>,
      %swap3A_300 = arith.index_cast %select_n3A_289 : i32 to index
      %swap3A_301 = arith.constant 32 : index
      %swap3A_302 = tpu.vector_load %arg10[%swap3A_300, %swap3A_301] {strides = array<i32>} : memref<128x128xf32, #tpu.memory_space<vmem>>, vector<1x16xf32>,
      %swap3A_303 = vector.shape_cast %swap3A_302 : vector<1x16xf32> to vector<16xf32>
      %swap3A_304 = vector.shape_cast %scan3A_264#2 : vector<16xf32> to vector<1x16xf32>
      tpu.vector_store %arg10[%swap3A_300, %swap3A_301], %swap3A_304 {strides = array<i32>} : memref<128x128xf32, #tpu.memory_space<vmem>>, vector<1x16xf32>,
      %swap3A_305 = arith.index_cast %select_n3A_289 : i32 to index
      %swap3A_306 = arith.constant 48 : index
      %swap3A_307 = tpu.vector_load %arg10[%swap3A_305, %swap3A_306] {strides = array<i32>} : memref<128x128xf32, #tpu.memory_space<vmem>>, vector<1x16xf32>,
      %swap3A_308 = vector.shape_cast %swap3A_307 : vector<1x16xf32> to vector<16xf32>
      %swap3A_309 = vector.shape_cast %scan3A_264#3 : vector<16xf32> to vector<1x16xf32>
      tpu.vector_store %arg10[%swap3A_305, %swap3A_306], %swap3A_309 {strides = array<i32>} : memref<128x128xf32, #tpu.memory_space<vmem>>, vector<1x16xf32>,
      %swap3A_310 = arith.index_cast %select_n3A_289 : i32 to index
      %swap3A_311 = arith.constant 64 : index
      %swap3A_312 = tpu.vector_load %arg10[%swap3A_310, %swap3A_311] {strides = array<i32>} : memref<128x128xf32, #tpu.memory_space<vmem>>, vector<1x16xf32>,
      %swap3A_313 = vector.shape_cast %swap3A_312 : vector<1x16xf32> to vector<16xf32>
      %swap3A_314 = vector.shape_cast %scan3A_264#4 : vector<16xf32> to vector<1x16xf32>
      tpu.vector_store %arg10[%swap3A_310, %swap3A_311], %swap3A_314 {strides = array<i32>} : memref<128x128xf32, #tpu.memory_space<vmem>>, vector<1x16xf32>,
      %swap3A_315 = arith.index_cast %select_n3A_289 : i32 to index
      %swap3A_316 = arith.constant 80 : index
      %swap3A_317 = tpu.vector_load %arg10[%swap3A_315, %swap3A_316] {strides = array<i32>} : memref<128x128xf32, #tpu.memory_space<vmem>>, vector<1x16xf32>,
      %swap3A_318 = vector.shape_cast %swap3A_317 : vector<1x16xf32> to vector<16xf32>
      %swap3A_319 = vector.shape_cast %scan3A_264#5 : vector<16xf32> to vector<1x16xf32>
      tpu.vector_store %arg10[%swap3A_315, %swap3A_316], %swap3A_319 {strides = array<i32>} : memref<128x128xf32, #tpu.memory_space<vmem>>, vector<1x16xf32>,
      %swap3A_320 = arith.index_cast %select_n3A_289 : i32 to index
      %swap3A_321 = arith.constant 96 : index
      %swap3A_322 = tpu.vector_load %arg10[%swap3A_320, %swap3A_321] {strides = array<i32>} : memref<128x128xf32, #tpu.memory_space<vmem>>, vector<1x16xf32>,
      %swap3A_323 = vector.shape_cast %swap3A_322 : vector<1x16xf32> to vector<16xf32>
      %swap3A_324 = vector.shape_cast %scan3A_264#6 : vector<16xf32> to vector<1x16xf32>
      tpu.vector_store %arg10[%swap3A_320, %swap3A_321], %swap3A_324 {strides = array<i32>} : memref<128x128xf32, #tpu.memory_space<vmem>>, vector<1x16xf32>,
      %swap3A_325 = arith.index_cast %select_n3A_289 : i32 to index
      %swap3A_326 = arith.constant 112 : index
      %swap3A_327 = tpu.vector_load %arg10[%swap3A_325, %swap3A_326] {strides = array<i32>} : memref<128x128xf32, #tpu.memory_space<vmem>>, vector<1x16xf32>,
      %swap3A_328 = vector.shape_cast %swap3A_327 : vector<1x16xf32> to vector<16xf32>
      %swap3A_329 = vector.shape_cast %scan3A_264#7 : vector<16xf32> to vector<1x16xf32>
      tpu.vector_store %arg10[%swap3A_325, %swap3A_326], %swap3A_329 {strides = array<i32>} : memref<128x128xf32, #tpu.memory_space<vmem>>, vector<1x16xf32>,
      %add3A_330 = arith.constant 4 : i32
      %add3A_331 = arith.addi %add3A_235, %add3A_330 : i32
      %lt3A_332 = arith.constant 256 : i32
      %lt3A_333 = arith.cmpi slt, %add3A_331, %lt3A_332 : i32
      %convert_element_type3A_334 = arith.extui %lt3A_333 : i1 to i32
      %cond3A_335 = arith.constant 0 : i32
      %cond3A_336 = arith.cmpi ne, %convert_element_type3A_334, %cond3A_335 : i32
      scf.if %cond3A_336 {
        %jit3A_440 = arith.constant 2 : i32
        %div3A_441 = arith.divsi %add3A_331, %jit3A_440 : i32
        %sign3A_442 = arith.constant 0 : i32
        %sign3A_443 = arith.cmpi sgt, %add3A_331, %sign3A_442 : i32
        %sign3A_444 = arith.extui %sign3A_443 : i1 to i32
        %sign3A_445 = arith.constant 0 : i32
        %sign3A_446 = arith.cmpi slt, %add3A_331, %sign3A_445 : i32
        %sign3A_447 = arith.extui %sign3A_446 : i1 to i32
        %sign3A_448 = arith.subi %sign3A_444, %sign3A_447 : i32
        %sign3A_449 = arith.constant 0 : i32
        %sign3A_450 = arith.cmpi sgt, %jit3A_440, %sign3A_449 : i32
        %sign3A_451 = arith.extui %sign3A_450 : i1 to i32
        %sign3A_452 = arith.constant 0 : i32
        %sign3A_453 = arith.cmpi slt, %jit3A_440, %sign3A_452 : i32
        %sign3A_454 = arith.extui %sign3A_453 : i1 to i32
        %sign3A_455 = arith.subi %sign3A_451, %sign3A_454 : i32
        %ne3A_456 = arith.cmpi ne, %sign3A_448, %sign3A_455 : i32
        %rem3A_457 = arith.remsi %add3A_331, %jit3A_440 : i32
        %ne3A_458 = arith.constant 0 : i32
        %ne3A_459 = arith.cmpi ne, %rem3A_457, %ne3A_458 : i32
        %and3A_460 = arith.andi %ne3A_456, %ne3A_459 : i1
        %sub3A_461 = arith.constant 1 : i32
        %sub3A_462 = arith.subi %div3A_441, %sub3A_461 : i32
        %select_n3A_463 = arith.select %and3A_460, %sub3A_462, %div3A_441 : i32
        %dma_start3A_464 = arith.constant 0 : i32
        %dma_start3A_465 = arith.constant 0 : i32
        %dma_start3A_466 = tpu.memref_slice %arg5[%select_n3A_463, %dma_start3A_464, %dma_start3A_465] : memref<128x2x100xi32, #tpu.memory_space<vmem>> -> memref<1x1x100xi32, #tpu.memory_space<vmem>>
        %dma_start3A_467 = tpu.memref_squeeze %dma_start3A_466 : memref<1x1x100xi32, #tpu.memory_space<vmem>> -> memref<100xi32, #tpu.memory_space<vmem>>
        %dma_start3A_468 = arith.constant 0 : i32
        %dma_start3A_469 = arith.constant 0 : i32
        %dma_start3A_470 = tpu.memref_slice %arg3[%dma_start3A_468, %dma_start3A_469] : memref<100000x128xf32, #tpu.memory_space<hbm>> -> memref<100000x128xf32, #tpu.memory_space<hbm>>
        tpu.enqueue_indirect_dma source(%dma_start3A_470 : memref<100000x128xf32, #tpu.memory_space<hbm>>) target(%arg8 : memref<100x128xf32, #tpu.memory_space<vmem>>) offsets(%dma_start3A_467 : memref<100xi32, #tpu.memory_space<vmem>>) semaphore(%arg13 : memref<!tpu.dma_semaphore, #tpu.memory_space<semaphore_mem>>)
      } else {
      }
      %add3A_337 = arith.constant 3 : i32
      %add3A_338 = arith.addi %mul3A_41, %add3A_337 : i32
      %dma_wait3A_339 = arith.constant 0 : i32
      %dma_wait3A_340 = arith.constant 0 : i32
      %dma_wait3A_341 = arith.constant 0 : i32
      %dma_wait3A_342 = tpu.memref_slice %arg5[%dma_wait3A_339, %dma_wait3A_340, %dma_wait3A_341] : memref<128x2x100xi32, #tpu.memory_space<vmem>> -> memref<1x1x100xi32, #tpu.memory_space<vmem>>
      %dma_wait3A_343 = tpu.memref_squeeze %dma_wait3A_342 : memref<1x1x100xi32, #tpu.memory_space<vmem>> -> memref<100xi32, #tpu.memory_space<vmem>>
      %dma_wait3A_344 = arith.constant 0 : i32
      %dma_wait3A_345 = arith.constant 0 : i32
      %dma_wait3A_346 = tpu.memref_slice %arg3[%dma_wait3A_344, %dma_wait3A_345] : memref<100000x128xf32, #tpu.memory_space<hbm>> -> memref<100000x128xf32, #tpu.memory_space<hbm>>
      tpu.wait_indirect_dma semaphore(%arg14 : memref<!tpu.dma_semaphore, #tpu.memory_space<semaphore_mem>>) src(%dma_wait3A_346 : memref<100000x128xf32, #tpu.memory_space<hbm>>) dst(%arg9 : memref<100x128xf32, #tpu.memory_space<vmem>>)
      %broadcast_in_dim3A_347 = arith.constant 0.000000e+00 : f32
      %broadcast_in_dim3A_348 = vector.broadcast %broadcast_in_dim3A_347 : f32 to vector<16xf32>
      %broadcast_in_dim3A_349 = arith.constant 0.000000e+00 : f32
      %broadcast_in_dim3A_350 = vector.broadcast %broadcast_in_dim3A_349 : f32 to vector<16xf32>
      %broadcast_in_dim3A_351 = arith.constant 0.000000e+00 : f32
      %broadcast_in_dim3A_352 = vector.broadcast %broadcast_in_dim3A_351 : f32 to vector<16xf32>
      %broadcast_in_dim3A_353 = arith.constant 0.000000e+00 : f32
      %broadcast_in_dim3A_354 = vector.broadcast %broadcast_in_dim3A_353 : f32 to vector<16xf32>
      %broadcast_in_dim3A_355 = arith.constant 0.000000e+00 : f32
      %broadcast_in_dim3A_356 = vector.broadcast %broadcast_in_dim3A_355 : f32 to vector<16xf32>
      %broadcast_in_dim3A_357 = arith.constant 0.000000e+00 : f32
      %broadcast_in_dim3A_358 = vector.broadcast %broadcast_in_dim3A_357 : f32 to vector<16xf32>
      %broadcast_in_dim3A_359 = arith.constant 0.000000e+00 : f32
      %broadcast_in_dim3A_360 = vector.broadcast %broadcast_in_dim3A_359 : f32 to vector<16xf32>
      %broadcast_in_dim3A_361 = arith.constant 0.000000e+00 : f32
      %broadcast_in_dim3A_362 = vector.broadcast %broadcast_in_dim3A_361 : f32 to vector<16xf32>
      %scan3A_363 = arith.constant 0 : i32
      %scan3A_364 = arith.constant 100 : i32
      %scan3A_365 = arith.addi %scan3A_363, %scan3A_364 : i32
      %scan3A_366 = arith.constant 4 : i32
      %scan3A_367:8 = scf.for %scan3A_440 = %scan3A_363 to %scan3A_365 step %scan3A_366 iter_args(%scan3A_441 = %broadcast_in_dim3A_348, %scan3A_442 = %broadcast_in_dim3A_350, %scan3A_443 = %broadcast_in_dim3A_352, %scan3A_444 = %broadcast_in_dim3A_354, %scan3A_445 = %broadcast_in_dim3A_356, %scan3A_446 = %broadcast_in_dim3A_358, %scan3A_447 = %broadcast_in_dim3A_360, %scan3A_448 = %broadcast_in_dim3A_362) -> (vector<16xf32>, vector<16xf32>, vector<16xf32>, vector<16xf32>, vector<16xf32>, vector<16xf32>, vector<16xf32>, vector<16xf32>)  : i32 {
        %get3A = arith.index_cast %scan3A_440 : i32 to index
        %get3A_449 = arith.constant 0 : index
        %get3A_450 = tpu.vector_load %arg9[%get3A, %get3A_449] {strides = array<i32>} : memref<100x128xf32, #tpu.memory_space<vmem>>, vector<1x16xf32>,
        %get3A_451 = vector.shape_cast %get3A_450 : vector<1x16xf32> to vector<16xf32>
        %add3A_452 = arith.addf %scan3A_441, %get3A_451 : vector<16xf32>
        %get3A_453 = arith.index_cast %scan3A_440 : i32 to index
        %get3A_454 = arith.constant 16 : index
        %get3A_455 = tpu.vector_load %arg9[%get3A_453, %get3A_454] {strides = array<i32>} : memref<100x128xf32, #tpu.memory_space<vmem>>, vector<1x16xf32>,
        %get3A_456 = vector.shape_cast %get3A_455 : vector<1x16xf32> to vector<16xf32>
        %add3A_457 = arith.addf %scan3A_442, %get3A_456 : vector<16xf32>
        %get3A_458 = arith.index_cast %scan3A_440 : i32 to index
        %get3A_459 = arith.constant 32 : index
        %get3A_460 = tpu.vector_load %arg9[%get3A_458, %get3A_459] {strides = array<i32>} : memref<100x128xf32, #tpu.memory_space<vmem>>, vector<1x16xf32>,
        %get3A_461 = vector.shape_cast %get3A_460 : vector<1x16xf32> to vector<16xf32>
        %add3A_462 = arith.addf %scan3A_443, %get3A_461 : vector<16xf32>
        %get3A_463 = arith.index_cast %scan3A_440 : i32 to index
        %get3A_464 = arith.constant 48 : index
        %get3A_465 = tpu.vector_load %arg9[%get3A_463, %get3A_464] {strides = array<i32>} : memref<100x128xf32, #tpu.memory_space<vmem>>, vector<1x16xf32>,
        %get3A_466 = vector.shape_cast %get3A_465 : vector<1x16xf32> to vector<16xf32>
        %add3A_467 = arith.addf %scan3A_444, %get3A_466 : vector<16xf32>
        %get3A_468 = arith.index_cast %scan3A_440 : i32 to index
        %get3A_469 = arith.constant 64 : index
        %get3A_470 = tpu.vector_load %arg9[%get3A_468, %get3A_469] {strides = array<i32>} : memref<100x128xf32, #tpu.memory_space<vmem>>, vector<1x16xf32>,
        %get3A_471 = vector.shape_cast %get3A_470 : vector<1x16xf32> to vector<16xf32>
        %add3A_472 = arith.addf %scan3A_445, %get3A_471 : vector<16xf32>
        %get3A_473 = arith.index_cast %scan3A_440 : i32 to index
        %get3A_474 = arith.constant 80 : index
        %get3A_475 = tpu.vector_load %arg9[%get3A_473, %get3A_474] {strides = array<i32>} : memref<100x128xf32, #tpu.memory_space<vmem>>, vector<1x16xf32>,
        %get3A_476 = vector.shape_cast %get3A_475 : vector<1x16xf32> to vector<16xf32>
        %add3A_477 = arith.addf %scan3A_446, %get3A_476 : vector<16xf32>
        %get3A_478 = arith.index_cast %scan3A_440 : i32 to index
        %get3A_479 = arith.constant 96 : index
        %get3A_480 = tpu.vector_load %arg9[%get3A_478, %get3A_479] {strides = array<i32>} : memref<100x128xf32, #tpu.memory_space<vmem>>, vector<1x16xf32>,
        %get3A_481 = vector.shape_cast %get3A_480 : vector<1x16xf32> to vector<16xf32>
        %add3A_482 = arith.addf %scan3A_447, %get3A_481 : vector<16xf32>
        %get3A_483 = arith.index_cast %scan3A_440 : i32 to index
        %get3A_484 = arith.constant 112 : index
        %get3A_485 = tpu.vector_load %arg9[%get3A_483, %get3A_484] {strides = array<i32>} : memref<100x128xf32, #tpu.memory_space<vmem>>, vector<1x16xf32>,
        %get3A_486 = vector.shape_cast %get3A_485 : vector<1x16xf32> to vector<16xf32>
        %add3A_487 = arith.addf %scan3A_448, %get3A_486 : vector<16xf32>
        %scan3A_488 = arith.constant 1 : i32
        %scan3A_489 = arith.addi %scan3A_440, %scan3A_488 : i32
        %get3A_490 = arith.index_cast %scan3A_489 : i32 to index
        %get3A_491 = arith.constant 0 : index
        %get3A_492 = tpu.vector_load %arg9[%get3A_490, %get3A_491] {strides = array<i32>} : memref<100x128xf32, #tpu.memory_space<vmem>>, vector<1x16xf32>,
        %get3A_493 = vector.shape_cast %get3A_492 : vector<1x16xf32> to vector<16xf32>
        %add3A_494 = arith.addf %add3A_452, %get3A_493 : vector<16xf32>
        %get3A_495 = arith.index_cast %scan3A_489 : i32 to index
        %get3A_496 = arith.constant 16 : index
        %get3A_497 = tpu.vector_load %arg9[%get3A_495, %get3A_496] {strides = array<i32>} : memref<100x128xf32, #tpu.memory_space<vmem>>, vector<1x16xf32>,
        %get3A_498 = vector.shape_cast %get3A_497 : vector<1x16xf32> to vector<16xf32>
        %add3A_499 = arith.addf %add3A_457, %get3A_498 : vector<16xf32>
        %get3A_500 = arith.index_cast %scan3A_489 : i32 to index
        %get3A_501 = arith.constant 32 : index
        %get3A_502 = tpu.vector_load %arg9[%get3A_500, %get3A_501] {strides = array<i32>} : memref<100x128xf32, #tpu.memory_space<vmem>>, vector<1x16xf32>,
        %get3A_503 = vector.shape_cast %get3A_502 : vector<1x16xf32> to vector<16xf32>
        %add3A_504 = arith.addf %add3A_462, %get3A_503 : vector<16xf32>
        %get3A_505 = arith.index_cast %scan3A_489 : i32 to index
        %get3A_506 = arith.constant 48 : index
        %get3A_507 = tpu.vector_load %arg9[%get3A_505, %get3A_506] {strides = array<i32>} : memref<100x128xf32, #tpu.memory_space<vmem>>, vector<1x16xf32>,
        %get3A_508 = vector.shape_cast %get3A_507 : vector<1x16xf32> to vector<16xf32>
        %add3A_509 = arith.addf %add3A_467, %get3A_508 : vector<16xf32>
        %get3A_510 = arith.index_cast %scan3A_489 : i32 to index
        %get3A_511 = arith.constant 64 : index
        %get3A_512 = tpu.vector_load %arg9[%get3A_510, %get3A_511] {strides = array<i32>} : memref<100x128xf32, #tpu.memory_space<vmem>>, vector<1x16xf32>,
        %get3A_513 = vector.shape_cast %get3A_512 : vector<1x16xf32> to vector<16xf32>
        %add3A_514 = arith.addf %add3A_472, %get3A_513 : vector<16xf32>
        %get3A_515 = arith.index_cast %scan3A_489 : i32 to index
        %get3A_516 = arith.constant 80 : index
        %get3A_517 = tpu.vector_load %arg9[%get3A_515, %get3A_516] {strides = array<i32>} : memref<100x128xf32, #tpu.memory_space<vmem>>, vector<1x16xf32>,
        %get3A_518 = vector.shape_cast %get3A_517 : vector<1x16xf32> to vector<16xf32>
        %add3A_519 = arith.addf %add3A_477, %get3A_518 : vector<16xf32>
        %get3A_520 = arith.index_cast %scan3A_489 : i32 to index
        %get3A_521 = arith.constant 96 : index
        %get3A_522 = tpu.vector_load %arg9[%get3A_520, %get3A_521] {strides = array<i32>} : memref<100x128xf32, #tpu.memory_space<vmem>>, vector<1x16xf32>,
        %get3A_523 = vector.shape_cast %get3A_522 : vector<1x16xf32> to vector<16xf32>
        %add3A_524 = arith.addf %add3A_482, %get3A_523 : vector<16xf32>
        %get3A_525 = arith.index_cast %scan3A_489 : i32 to index
        %get3A_526 = arith.constant 112 : index
        %get3A_527 = tpu.vector_load %arg9[%get3A_525, %get3A_526] {strides = array<i32>} : memref<100x128xf32, #tpu.memory_space<vmem>>, vector<1x16xf32>,
        %get3A_528 = vector.shape_cast %get3A_527 : vector<1x16xf32> to vector<16xf32>
        %add3A_529 = arith.addf %add3A_487, %get3A_528 : vector<16xf32>
        %scan3A_530 = arith.constant 2 : i32
        %scan3A_531 = arith.addi %scan3A_440, %scan3A_530 : i32
        %get3A_532 = arith.index_cast %scan3A_531 : i32 to index
        %get3A_533 = arith.constant 0 : index
        %get3A_534 = tpu.vector_load %arg9[%get3A_532, %get3A_533] {strides = array<i32>} : memref<100x128xf32, #tpu.memory_space<vmem>>, vector<1x16xf32>,
        %get3A_535 = vector.shape_cast %get3A_534 : vector<1x16xf32> to vector<16xf32>
        %add3A_536 = arith.addf %add3A_494, %get3A_535 : vector<16xf32>
        %get3A_537 = arith.index_cast %scan3A_531 : i32 to index
        %get3A_538 = arith.constant 16 : index
        %get3A_539 = tpu.vector_load %arg9[%get3A_537, %get3A_538] {strides = array<i32>} : memref<100x128xf32, #tpu.memory_space<vmem>>, vector<1x16xf32>,
        %get3A_540 = vector.shape_cast %get3A_539 : vector<1x16xf32> to vector<16xf32>
        %add3A_541 = arith.addf %add3A_499, %get3A_540 : vector<16xf32>
        %get3A_542 = arith.index_cast %scan3A_531 : i32 to index
        %get3A_543 = arith.constant 32 : index
        %get3A_544 = tpu.vector_load %arg9[%get3A_542, %get3A_543] {strides = array<i32>} : memref<100x128xf32, #tpu.memory_space<vmem>>, vector<1x16xf32>,
        %get3A_545 = vector.shape_cast %get3A_544 : vector<1x16xf32> to vector<16xf32>
        %add3A_546 = arith.addf %add3A_504, %get3A_545 : vector<16xf32>
        %get3A_547 = arith.index_cast %scan3A_531 : i32 to index
        %get3A_548 = arith.constant 48 : index
        %get3A_549 = tpu.vector_load %arg9[%get3A_547, %get3A_548] {strides = array<i32>} : memref<100x128xf32, #tpu.memory_space<vmem>>, vector<1x16xf32>,
        %get3A_550 = vector.shape_cast %get3A_549 : vector<1x16xf32> to vector<16xf32>
        %add3A_551 = arith.addf %add3A_509, %get3A_550 : vector<16xf32>
        %get3A_552 = arith.index_cast %scan3A_531 : i32 to index
        %get3A_553 = arith.constant 64 : index
        %get3A_554 = tpu.vector_load %arg9[%get3A_552, %get3A_553] {strides = array<i32>} : memref<100x128xf32, #tpu.memory_space<vmem>>, vector<1x16xf32>,
        %get3A_555 = vector.shape_cast %get3A_554 : vector<1x16xf32> to vector<16xf32>
        %add3A_556 = arith.addf %add3A_514, %get3A_555 : vector<16xf32>
        %get3A_557 = arith.index_cast %scan3A_531 : i32 to index
        %get3A_558 = arith.constant 80 : index
        %get3A_559 = tpu.vector_load %arg9[%get3A_557, %get3A_558] {strides = array<i32>} : memref<100x128xf32, #tpu.memory_space<vmem>>, vector<1x16xf32>,
        %get3A_560 = vector.shape_cast %get3A_559 : vector<1x16xf32> to vector<16xf32>
        %add3A_561 = arith.addf %add3A_519, %get3A_560 : vector<16xf32>
        %get3A_562 = arith.index_cast %scan3A_531 : i32 to index
        %get3A_563 = arith.constant 96 : index
        %get3A_564 = tpu.vector_load %arg9[%get3A_562, %get3A_563] {strides = array<i32>} : memref<100x128xf32, #tpu.memory_space<vmem>>, vector<1x16xf32>,
        %get3A_565 = vector.shape_cast %get3A_564 : vector<1x16xf32> to vector<16xf32>
        %add3A_566 = arith.addf %add3A_524, %get3A_565 : vector<16xf32>
        %get3A_567 = arith.index_cast %scan3A_531 : i32 to index
        %get3A_568 = arith.constant 112 : index
        %get3A_569 = tpu.vector_load %arg9[%get3A_567, %get3A_568] {strides = array<i32>} : memref<100x128xf32, #tpu.memory_space<vmem>>, vector<1x16xf32>,
        %get3A_570 = vector.shape_cast %get3A_569 : vector<1x16xf32> to vector<16xf32>
        %add3A_571 = arith.addf %add3A_529, %get3A_570 : vector<16xf32>
        %scan3A_572 = arith.constant 3 : i32
        %scan3A_573 = arith.addi %scan3A_440, %scan3A_572 : i32
        %get3A_574 = arith.index_cast %scan3A_573 : i32 to index
        %get3A_575 = arith.constant 0 : index
        %get3A_576 = tpu.vector_load %arg9[%get3A_574, %get3A_575] {strides = array<i32>} : memref<100x128xf32, #tpu.memory_space<vmem>>, vector<1x16xf32>,
        %get3A_577 = vector.shape_cast %get3A_576 : vector<1x16xf32> to vector<16xf32>
        %add3A_578 = arith.addf %add3A_536, %get3A_577 : vector<16xf32>
        %get3A_579 = arith.index_cast %scan3A_573 : i32 to index
        %get3A_580 = arith.constant 16 : index
        %get3A_581 = tpu.vector_load %arg9[%get3A_579, %get3A_580] {strides = array<i32>} : memref<100x128xf32, #tpu.memory_space<vmem>>, vector<1x16xf32>,
        %get3A_582 = vector.shape_cast %get3A_581 : vector<1x16xf32> to vector<16xf32>
        %add3A_583 = arith.addf %add3A_541, %get3A_582 : vector<16xf32>
        %get3A_584 = arith.index_cast %scan3A_573 : i32 to index
        %get3A_585 = arith.constant 32 : index
        %get3A_586 = tpu.vector_load %arg9[%get3A_584, %get3A_585] {strides = array<i32>} : memref<100x128xf32, #tpu.memory_space<vmem>>, vector<1x16xf32>,
        %get3A_587 = vector.shape_cast %get3A_586 : vector<1x16xf32> to vector<16xf32>
        %add3A_588 = arith.addf %add3A_546, %get3A_587 : vector<16xf32>
        %get3A_589 = arith.index_cast %scan3A_573 : i32 to index
        %get3A_590 = arith.constant 48 : index
        %get3A_591 = tpu.vector_load %arg9[%get3A_589, %get3A_590] {strides = array<i32>} : memref<100x128xf32, #tpu.memory_space<vmem>>, vector<1x16xf32>,
        %get3A_592 = vector.shape_cast %get3A_591 : vector<1x16xf32> to vector<16xf32>
        %add3A_593 = arith.addf %add3A_551, %get3A_592 : vector<16xf32>
        %get3A_594 = arith.index_cast %scan3A_573 : i32 to index
        %get3A_595 = arith.constant 64 : index
        %get3A_596 = tpu.vector_load %arg9[%get3A_594, %get3A_595] {strides = array<i32>} : memref<100x128xf32, #tpu.memory_space<vmem>>, vector<1x16xf32>,
        %get3A_597 = vector.shape_cast %get3A_596 : vector<1x16xf32> to vector<16xf32>
        %add3A_598 = arith.addf %add3A_556, %get3A_597 : vector<16xf32>
        %get3A_599 = arith.index_cast %scan3A_573 : i32 to index
        %get3A_600 = arith.constant 80 : index
        %get3A_601 = tpu.vector_load %arg9[%get3A_599, %get3A_600] {strides = array<i32>} : memref<100x128xf32, #tpu.memory_space<vmem>>, vector<1x16xf32>,
        %get3A_602 = vector.shape_cast %get3A_601 : vector<1x16xf32> to vector<16xf32>
        %add3A_603 = arith.addf %add3A_561, %get3A_602 : vector<16xf32>
        %get3A_604 = arith.index_cast %scan3A_573 : i32 to index
        %get3A_605 = arith.constant 96 : index
        %get3A_606 = tpu.vector_load %arg9[%get3A_604, %get3A_605] {strides = array<i32>} : memref<100x128xf32, #tpu.memory_space<vmem>>, vector<1x16xf32>,
        %get3A_607 = vector.shape_cast %get3A_606 : vector<1x16xf32> to vector<16xf32>
        %add3A_608 = arith.addf %add3A_566, %get3A_607 : vector<16xf32>
        %get3A_609 = arith.index_cast %scan3A_573 : i32 to index
        %get3A_610 = arith.constant 112 : index
        %get3A_611 = tpu.vector_load %arg9[%get3A_609, %get3A_610] {strides = array<i32>} : memref<100x128xf32, #tpu.memory_space<vmem>>, vector<1x16xf32>,
        %get3A_612 = vector.shape_cast %get3A_611 : vector<1x16xf32> to vector<16xf32>
        %add3A_613 = arith.addf %add3A_571, %get3A_612 : vector<16xf32>
        scf.yield %add3A_578, %add3A_583, %add3A_588, %add3A_593, %add3A_598, %add3A_603, %add3A_608, %add3A_613 : vector<16xf32>, vector<16xf32>, vector<16xf32>, vector<16xf32>, vector<16xf32>, vector<16xf32>, vector<16xf32>, vector<16xf32>
      }
      %scan3A_368 = arith.constant 100 : i32
      %jit3A_369 = arith.constant 2 : i32
      %div3A_370 = arith.divsi %add3A_338, %jit3A_369 : i32
      %sign3A_371 = arith.constant 0 : i32
      %sign3A_372 = arith.cmpi sgt, %add3A_338, %sign3A_371 : i32
      %sign3A_373 = arith.extui %sign3A_372 : i1 to i32
      %sign3A_374 = arith.constant 0 : i32
      %sign3A_375 = arith.cmpi slt, %add3A_338, %sign3A_374 : i32
      %sign3A_376 = arith.extui %sign3A_375 : i1 to i32
      %sign3A_377 = arith.subi %sign3A_373, %sign3A_376 : i32
      %sign3A_378 = arith.constant 0 : i32
      %sign3A_379 = arith.cmpi sgt, %jit3A_369, %sign3A_378 : i32
      %sign3A_380 = arith.extui %sign3A_379 : i1 to i32
      %sign3A_381 = arith.constant 0 : i32
      %sign3A_382 = arith.cmpi slt, %jit3A_369, %sign3A_381 : i32
      %sign3A_383 = arith.extui %sign3A_382 : i1 to i32
      %sign3A_384 = arith.subi %sign3A_380, %sign3A_383 : i32
      %ne3A_385 = arith.cmpi ne, %sign3A_377, %sign3A_384 : i32
      %rem3A_386 = arith.remsi %add3A_338, %jit3A_369 : i32
      %ne3A_387 = arith.constant 0 : i32
      %ne3A_388 = arith.cmpi ne, %rem3A_386, %ne3A_387 : i32
      %and3A_389 = arith.andi %ne3A_385, %ne3A_388 : i1
      %sub3A_390 = arith.constant 1 : i32
      %sub3A_391 = arith.subi %div3A_370, %sub3A_390 : i32
      %select_n3A_392 = arith.select %and3A_389, %sub3A_391, %div3A_370 : i32
      %swap3A_393 = arith.index_cast %select_n3A_392 : i32 to index
      %swap3A_394 = arith.constant 0 : index
      %swap3A_395 = tpu.vector_load %arg10[%swap3A_393, %swap3A_394] {strides = array<i32>} : memref<128x128xf32, #tpu.memory_space<vmem>>, vector<1x16xf32>,
      %swap3A_396 = vector.shape_cast %swap3A_395 : vector<1x16xf32> to vector<16xf32>
      %swap3A_397 = vector.shape_cast %scan3A_367#0 : vector<16xf32> to vector<1x16xf32>
      tpu.vector_store %arg10[%swap3A_393, %swap3A_394], %swap3A_397 {add = true, strides = array<i32>} : memref<128x128xf32, #tpu.memory_space<vmem>>, vector<1x16xf32>,
      %swap3A_398 = arith.index_cast %select_n3A_392 : i32 to index
      %swap3A_399 = arith.constant 16 : index
      %swap3A_400 = tpu.vector_load %arg10[%swap3A_398, %swap3A_399] {strides = array<i32>} : memref<128x128xf32, #tpu.memory_space<vmem>>, vector<1x16xf32>,
      %swap3A_401 = vector.shape_cast %swap3A_400 : vector<1x16xf32> to vector<16xf32>
      %swap3A_402 = vector.shape_cast %scan3A_367#1 : vector<16xf32> to vector<1x16xf32>
      tpu.vector_store %arg10[%swap3A_398, %swap3A_399], %swap3A_402 {add = true, strides = array<i32>} : memref<128x128xf32, #tpu.memory_space<vmem>>, vector<1x16xf32>,
      %swap3A_403 = arith.index_cast %select_n3A_392 : i32 to index
      %swap3A_404 = arith.constant 32 : index
      %swap3A_405 = tpu.vector_load %arg10[%swap3A_403, %swap3A_404] {strides = array<i32>} : memref<128x128xf32, #tpu.memory_space<vmem>>, vector<1x16xf32>,
      %swap3A_406 = vector.shape_cast %swap3A_405 : vector<1x16xf32> to vector<16xf32>
      %swap3A_407 = vector.shape_cast %scan3A_367#2 : vector<16xf32> to vector<1x16xf32>
      tpu.vector_store %arg10[%swap3A_403, %swap3A_404], %swap3A_407 {add = true, strides = array<i32>} : memref<128x128xf32, #tpu.memory_space<vmem>>, vector<1x16xf32>,
      %swap3A_408 = arith.index_cast %select_n3A_392 : i32 to index
      %swap3A_409 = arith.constant 48 : index
      %swap3A_410 = tpu.vector_load %arg10[%swap3A_408, %swap3A_409] {strides = array<i32>} : memref<128x128xf32, #tpu.memory_space<vmem>>, vector<1x16xf32>,
      %swap3A_411 = vector.shape_cast %swap3A_410 : vector<1x16xf32> to vector<16xf32>
      %swap3A_412 = vector.shape_cast %scan3A_367#3 : vector<16xf32> to vector<1x16xf32>
      tpu.vector_store %arg10[%swap3A_408, %swap3A_409], %swap3A_412 {add = true, strides = array<i32>} : memref<128x128xf32, #tpu.memory_space<vmem>>, vector<1x16xf32>,
      %swap3A_413 = arith.index_cast %select_n3A_392 : i32 to index
      %swap3A_414 = arith.constant 64 : index
      %swap3A_415 = tpu.vector_load %arg10[%swap3A_413, %swap3A_414] {strides = array<i32>} : memref<128x128xf32, #tpu.memory_space<vmem>>, vector<1x16xf32>,
      %swap3A_416 = vector.shape_cast %swap3A_415 : vector<1x16xf32> to vector<16xf32>
      %swap3A_417 = vector.shape_cast %scan3A_367#4 : vector<16xf32> to vector<1x16xf32>
      tpu.vector_store %arg10[%swap3A_413, %swap3A_414], %swap3A_417 {add = true, strides = array<i32>} : memref<128x128xf32, #tpu.memory_space<vmem>>, vector<1x16xf32>,
      %swap3A_418 = arith.index_cast %select_n3A_392 : i32 to index
      %swap3A_419 = arith.constant 80 : index
      %swap3A_420 = tpu.vector_load %arg10[%swap3A_418, %swap3A_419] {strides = array<i32>} : memref<128x128xf32, #tpu.memory_space<vmem>>, vector<1x16xf32>,
      %swap3A_421 = vector.shape_cast %swap3A_420 : vector<1x16xf32> to vector<16xf32>
      %swap3A_422 = vector.shape_cast %scan3A_367#5 : vector<16xf32> to vector<1x16xf32>
      tpu.vector_store %arg10[%swap3A_418, %swap3A_419], %swap3A_422 {add = true, strides = array<i32>} : memref<128x128xf32, #tpu.memory_space<vmem>>, vector<1x16xf32>,
      %swap3A_423 = arith.index_cast %select_n3A_392 : i32 to index
      %swap3A_424 = arith.constant 96 : index
      %swap3A_425 = tpu.vector_load %arg10[%swap3A_423, %swap3A_424] {strides = array<i32>} : memref<128x128xf32, #tpu.memory_space<vmem>>, vector<1x16xf32>,
      %swap3A_426 = vector.shape_cast %swap3A_425 : vector<1x16xf32> to vector<16xf32>
      %swap3A_427 = vector.shape_cast %scan3A_367#6 : vector<16xf32> to vector<1x16xf32>
      tpu.vector_store %arg10[%swap3A_423, %swap3A_424], %swap3A_427 {add = true, strides = array<i32>} : memref<128x128xf32, #tpu.memory_space<vmem>>, vector<1x16xf32>,
      %swap3A_428 = arith.index_cast %select_n3A_392 : i32 to index
      %swap3A_429 = arith.constant 112 : index
      %swap3A_430 = tpu.vector_load %arg10[%swap3A_428, %swap3A_429] {strides = array<i32>} : memref<128x128xf32, #tpu.memory_space<vmem>>, vector<1x16xf32>,
      %swap3A_431 = vector.shape_cast %swap3A_430 : vector<1x16xf32> to vector<16xf32>
      %swap3A_432 = vector.shape_cast %scan3A_367#7 : vector<16xf32> to vector<1x16xf32>
      tpu.vector_store %arg10[%swap3A_428, %swap3A_429], %swap3A_432 {add = true, strides = array<i32>} : memref<128x128xf32, #tpu.memory_space<vmem>>, vector<1x16xf32>,
      %add3A_433 = arith.constant 4 : i32
      %add3A_434 = arith.addi %add3A_338, %add3A_433 : i32
      %lt3A_435 = arith.constant 256 : i32
      %lt3A_436 = arith.cmpi slt, %add3A_434, %lt3A_435 : i32
      %convert_element_type3A_437 = arith.extui %lt3A_436 : i1 to i32
      %cond3A_438 = arith.constant 0 : i32
      %cond3A_439 = arith.cmpi ne, %convert_element_type3A_437, %cond3A_438 : i32
      scf.if %cond3A_439 {
        %jit3A_440 = arith.constant 2 : i32
        %div3A_441 = arith.divsi %add3A_434, %jit3A_440 : i32
        %sign3A_442 = arith.constant 0 : i32
        %sign3A_443 = arith.cmpi sgt, %add3A_434, %sign3A_442 : i32
        %sign3A_444 = arith.extui %sign3A_443 : i1 to i32
        %sign3A_445 = arith.constant 0 : i32
        %sign3A_446 = arith.cmpi slt, %add3A_434, %sign3A_445 : i32
        %sign3A_447 = arith.extui %sign3A_446 : i1 to i32
        %sign3A_448 = arith.subi %sign3A_444, %sign3A_447 : i32
        %sign3A_449 = arith.constant 0 : i32
        %sign3A_450 = arith.cmpi sgt, %jit3A_440, %sign3A_449 : i32
        %sign3A_451 = arith.extui %sign3A_450 : i1 to i32
        %sign3A_452 = arith.constant 0 : i32
        %sign3A_453 = arith.cmpi slt, %jit3A_440, %sign3A_452 : i32
        %sign3A_454 = arith.extui %sign3A_453 : i1 to i32
        %sign3A_455 = arith.subi %sign3A_451, %sign3A_454 : i32
        %ne3A_456 = arith.cmpi ne, %sign3A_448, %sign3A_455 : i32
        %rem3A_457 = arith.remsi %add3A_434, %jit3A_440 : i32
        %ne3A_458 = arith.constant 0 : i32
        %ne3A_459 = arith.cmpi ne, %rem3A_457, %ne3A_458 : i32
        %and3A_460 = arith.andi %ne3A_456, %ne3A_459 : i1
        %sub3A_461 = arith.constant 1 : i32
        %sub3A_462 = arith.subi %div3A_441, %sub3A_461 : i32
        %select_n3A_463 = arith.select %and3A_460, %sub3A_462, %div3A_441 : i32
        %dma_start3A_464 = arith.constant 1 : i32
        %dma_start3A_465 = arith.constant 0 : i32
        %dma_start3A_466 = tpu.memref_slice %arg5[%select_n3A_463, %dma_start3A_464, %dma_start3A_465] : memref<128x2x100xi32, #tpu.memory_space<vmem>> -> memref<1x1x100xi32, #tpu.memory_space<vmem>>
        %dma_start3A_467 = tpu.memref_squeeze %dma_start3A_466 : memref<1x1x100xi32, #tpu.memory_space<vmem>> -> memref<100xi32, #tpu.memory_space<vmem>>
        %dma_start3A_468 = arith.constant 0 : i32
        %dma_start3A_469 = arith.constant 0 : i32
        %dma_start3A_470 = tpu.memref_slice %arg3[%dma_start3A_468, %dma_start3A_469] : memref<100000x128xf32, #tpu.memory_space<hbm>> -> memref<100000x128xf32, #tpu.memory_space<hbm>>
        tpu.enqueue_indirect_dma source(%dma_start3A_470 : memref<100000x128xf32, #tpu.memory_space<hbm>>) target(%arg9 : memref<100x128xf32, #tpu.memory_space<vmem>>) offsets(%dma_start3A_467 : memref<100xi32, #tpu.memory_space<vmem>>) semaphore(%arg14 : memref<!tpu.dma_semaphore, #tpu.memory_space<semaphore_mem>>)
      } else {
      }
    }
    %scan3A_38 = arith.constant 64 : i32
    "tpu.region"() ({
      %run_scoped3A = tpu.sem_alloc : memref<!tpu.dma_semaphore, #tpu.memory_space<semaphore_mem>>
      %dma_start3A_39 = arith.constant 0 : i32
      %dma_start3A_40 = tpu.memref_slice %arg4[%mul3A_2, %dma_start3A_39] : memref<4096x128xf32, #tpu.memory_space<hbm>> -> memref<128x128xf32, #tpu.memory_space<hbm>>
      %dma_start3A_41 = arith.constant 0 : i32
      %dma_start3A_42 = tpu.memref_slice %arg4[%mul3A_2, %dma_start3A_41] : memref<4096x128xf32, #tpu.memory_space<hbm>> -> memref<128x128xf32, #tpu.memory_space<hbm>>
      tpu.enqueue_dma source(%arg10 : memref<128x128xf32, #tpu.memory_space<vmem>>) target(%dma_start3A_42 : memref<128x128xf32, #tpu.memory_space<hbm>>) target_semaphore(%run_scoped3A : memref<!tpu.dma_semaphore, #tpu.memory_space<semaphore_mem>>)
      %dma_wait3A = arith.constant 0 : i32
      %dma_wait3A_43 = tpu.memref_slice %arg4[%mul3A_2, %dma_wait3A] : memref<4096x128xf32, #tpu.memory_space<hbm>> -> memref<128x128xf32, #tpu.memory_space<hbm>>
      %dma_wait3A_44 = arith.constant 0 : i32
      %dma_wait3A_45 = tpu.memref_slice %arg4[%mul3A_2, %dma_wait3A_44] : memref<4096x128xf32, #tpu.memory_space<hbm>> -> memref<128x128xf32, #tpu.memory_space<hbm>>
      tpu.wait_dma2 semaphore(%run_scoped3A : memref<!tpu.dma_semaphore, #tpu.memory_space<semaphore_mem>>) src(%arg10 : memref<128x128xf32, #tpu.memory_space<vmem>>) dst(%dma_wait3A_45 : memref<128x128xf32, #tpu.memory_space<hbm>>)
      tpu.yield
    }) : () -> ()
    return
  }
}

module attributes {stable_mosaic.version = 14 : i64} {
  func.func @_mlp_body(%arg0: i32, %arg1: memref<512x128xf32, #tpu.memory_space<vmem>>, %arg2: memref<128x512xf32, #tpu.memory_space<vmem>>, %arg3: memref<1x512xf32, #tpu.memory_space<vmem>>, %arg4: memref<512x1024xf32, #tpu.memory_space<vmem>>, %arg5: memref<1x1024xf32, #tpu.memory_space<vmem>>, %arg6: memref<512x1024xf32, #tpu.memory_space<vmem>>) attributes {dimension_semantics = [#tpu.dimension_semantics<arbitrary>], iteration_bounds = array<i64: 8>, scalar_prefetch = 0 : i64, scratch_operands = 0 : i64, tpu.core_type = #tpu.core_type<tc>, window_params = [{transform_indices = @transform_0, window_bounds = array<i64: 512, 128>}, {pipeline_mode = #tpu.pipeline_mode<synchronous>, transform_indices = @transform_1, window_bounds = array<i64: 128, 512>}, {pipeline_mode = #tpu.pipeline_mode<synchronous>, transform_indices = @transform_2, window_bounds = array<i64: 1, 512>}, {pipeline_mode = #tpu.pipeline_mode<synchronous>, transform_indices = @transform_3, window_bounds = array<i64: 512, 1024>}, {pipeline_mode = #tpu.pipeline_mode<synchronous>, transform_indices = @transform_4, window_bounds = array<i64: 1, 1024>}, {transform_indices = @transform_5, window_bounds = array<i64: 512, 1024>}]} {
    %get3A = arith.constant 0 : index
    %get3A_0 = arith.constant 0 : index
    %get3A_1 = vector.load %arg1[%get3A, %get3A_0] : memref<512x128xf32, #tpu.memory_space<vmem>>, vector<512x128xf32>
    %mul3A = arith.constant 5.000000e-03 : f32
    %mul3A_2 = vector.broadcast %mul3A : f32 to vector<512x128xf32>
    %mul3A_3 = arith.mulf %get3A_1, %mul3A_2 : vector<512x128xf32>
    %get3A_4 = arith.constant 0 : index
    %get3A_5 = arith.constant 0 : index
    %get3A_6 = vector.load %arg2[%get3A_4, %get3A_5] : memref<128x512xf32, #tpu.memory_space<vmem>>, vector<128x512xf32>
    %dot_general3A = arith.constant dense<0.000000e+00> : vector<512x512xf32>
    %dot_general3A_7 = tpu.matmul %mul3A_3, %get3A_6, %dot_general3A {dimension_numbers = #tpu.dot_dimension_numbers<[1], [0], [0], [1], [0, 0, 1, 1], [], []>, transpose_lhs_hint = false} : vector<512x128xf32>, vector<128x512xf32>, vector<512x512xf32> -> vector<512x512xf32>
    %get3A_8 = arith.constant 0 : index
    %get3A_9 = arith.constant 0 : index
    %get3A_10 = vector.load %arg3[%get3A_8, %get3A_9] : memref<1x512xf32, #tpu.memory_space<vmem>>, vector<1x512xf32>
    %add3A = vector.broadcast %get3A_10 : vector<1x512xf32> to vector<512x512xf32>
    %add3A_11 = arith.addf %dot_general3A_7, %add3A : vector<512x512xf32>
    %get3A_12 = arith.constant 0 : index
    %get3A_13 = arith.constant 0 : index
    %get3A_14 = vector.load %arg4[%get3A_12, %get3A_13] : memref<512x1024xf32, #tpu.memory_space<vmem>>, vector<512x1024xf32>
    %dot_general3A_15 = arith.constant dense<0.000000e+00> : vector<512x1024xf32>
    %dot_general3A_16 = tpu.matmul %add3A_11, %get3A_14, %dot_general3A_15 {dimension_numbers = #tpu.dot_dimension_numbers<[1], [0], [0], [1], [0, 0, 1, 1], [], []>, transpose_lhs_hint = false} : vector<512x512xf32>, vector<512x1024xf32>, vector<512x1024xf32> -> vector<512x1024xf32>
    %get3A_17 = arith.constant 0 : index
    %get3A_18 = arith.constant 0 : index
    %get3A_19 = vector.load %arg5[%get3A_17, %get3A_18] : memref<1x1024xf32, #tpu.memory_space<vmem>>, vector<1x1024xf32>
    %add3A_20 = vector.broadcast %get3A_19 : vector<1x1024xf32> to vector<512x1024xf32>
    %add3A_21 = arith.addf %dot_general3A_16, %add3A_20 : vector<512x1024xf32>
    %swap3A = arith.constant 0 : index
    %swap3A_22 = arith.constant 0 : index
    %swap3A_23 = vector.load %arg6[%swap3A, %swap3A_22] : memref<512x1024xf32, #tpu.memory_space<vmem>>, vector<512x1024xf32>
    tpu.vector_store %arg6[%swap3A, %swap3A_22], %add3A_21 {strides = array<i32>} : memref<512x1024xf32, #tpu.memory_space<vmem>>, vector<512x1024xf32>,
    return
  }
  func.func @transform_0(%arg0: i32) -> (i32, i32) {
    %c0_i32 = arith.constant 0 : i32
    %c0_i32_0 = arith.constant 0 : i32
    return %arg0, %c0_i32 : i32, i32
  }
  func.func @transform_1(%arg0: i32) -> (i32, i32) {
    %c0_i32 = arith.constant 0 : i32
    %c0_i32_0 = arith.constant 0 : i32
    %c0_i32_1 = arith.constant 0 : i32
    return %c0_i32, %c0_i32_0 : i32, i32
  }
  func.func @transform_2(%arg0: i32) -> (i32, i32) {
    %c0_i32 = arith.constant 0 : i32
    %c0_i32_0 = arith.constant 0 : i32
    %c0_i32_1 = arith.constant 0 : i32
    return %c0_i32, %c0_i32_0 : i32, i32
  }
  func.func @transform_3(%arg0: i32) -> (i32, i32) {
    %c0_i32 = arith.constant 0 : i32
    %c0_i32_0 = arith.constant 0 : i32
    %c0_i32_1 = arith.constant 0 : i32
    return %c0_i32, %c0_i32_0 : i32, i32
  }
  func.func @transform_4(%arg0: i32) -> (i32, i32) {
    %c0_i32 = arith.constant 0 : i32
    %c0_i32_0 = arith.constant 0 : i32
    %c0_i32_1 = arith.constant 0 : i32
    return %c0_i32, %c0_i32_0 : i32, i32
  }
  func.func @transform_5(%arg0: i32) -> (i32, i32) {
    %c0_i32 = arith.constant 0 : i32
    %c0_i32_0 = arith.constant 0 : i32
    return %arg0, %c0_i32 : i32, i32
  }
}

</mosaic_0001>

<sc_bundles>
// kernel: kernel.4.cloned.1.call-start
scs
__scs_entry_jumppad:
0x0: {  	(pc) =	sbr.rel $0x88, $3  }
0x1: {  	(tag) =	ssettag $0x0;
	lr =	simm.s32 $0x1  }
0x2: {  	[smem:$0x3F9B] =	sst lr;
	_ =	strace $0xD0000000  }
0x3: {  	_ = 	snop  }
0x4: {  	_ = 	snop  }
0x5: {  	_ = 	snop  }
0x6: {  	_ = 	snop  }
0x7: {  	_ = 	snop  }
__scs_overlays_trampoline_lowered:
0x8: {  	[smem:$0x3FAA] =	sst s0  }
0x9: {  	[smem:$0x3FAB] =	sst s1  }
0xa: {  	[smem:$0x3FAC] =	sst s2  }
0xb: {  	[smem:$0x3FAD] =	sst s3  }
0xc: {  	[smem:$0x3FAE] =	sst s4  }
0xd: {  	[smem:$0x3FAF] =	sst s5  }
0xe: {  	[smem:$0x3FB0] =	sst s6  }
0xf: {  	[smem:$0x3FB1] =	sst s7  }
0x10: {  	[smem:$0x3FB2] =	sst s8  }
0x11: {  	[smem:$0x3FB3] =	sst s9;
	s0 =	simm.s32 @!p0 $0x0  }
0x12: {  	s1 =	sld [smem:$0x3F99];
	s0 =	simm.s32 @p0 $0x1  }
0x13: {  	[smem:$0x3FB4] =	sst s0;
	s0 =	simm.s32 @!p1 $0x0  }
0x14: {  	s2 =	sld [smem:$0x3F98];
	s0 =	simm.s32 @p1 $0x1  }
0x15: {  	[smem:$0x3FB5] =	sst s0;
	s0 =	simm.s32 @!p2 $0x0  }
0x16: {  	s3 =	sld [smem:$0x3FDB];
	s0 =	simm.s32 @p2 $0x1  }
0x17: {  	s4 =	simm.s32 $0x1BF5;
	[smem:$0x3FB7] =	sst s0  }
0x18: {  	s0 =	sld [smem:$0x3F9A];
	_ =	swait.ge [sflag:s4], $0x0  }
0x19: {  	s7 =	sld [smem:$0x3F9B]  }
0x1a: {  	s8 =	sadd.s32 $0xFFFFE003, lr  }
0x1b: {  	s9 =	sadd.s32 $0xFFFFFEF7, lr;
	s5 =	simm.s32 $0xFFFFFFFF;
	p2 =	slt.u32 s8, $0xFFFFF086  }
0x1c: {  	p1 =	slt.u32 s9, $0xF7A;
	s5 =	simm.s32 @!p2 $0x0  }
0x1d: {  	s5 =	simm.s32 @p1 $0x1;
	p0 =	seq.s32 s7, s2  }
0x1e: {  	s7 =	smul.u32 @!p0 $0xF7A, s2;
	p2 =	seq.s32 @!p0 s5, $0x0  }
0x1f: {  	s9 =	smul.u32 $0xF7A, s1;
	s8 =	simm.s32 @!p0 $0x1BF5;
	p2 =	por !p2, p0  }
0x20: {  	[sflag:s8] =	ssyncset.s32 @!p0 $0xFFFFF086;
	s6 =	sadd.s32 @!p0 s3, s7;
	s7 =	simm.s32 @!p0 $0x108  }
0x21: {  	s3 =	sadd.s32 s3, s9;
	s6 =	sadd.s32 @!p0 $0x88, s6;
	s7 =	simm.s32 @p2 $0x1082  }
0x22: {  	[simem:s7], [sflag:s8] =	dma.local @!p0 [hbm:s6], $0xF7A  }
0x23: {  	s9 =	sor.u32 $0xD0000000, s2;
	s6 =	simm.s32 $0x108;
	_ =	swait.ge @!p0 [sflag:s8], $0x0  }
0x24: {  	s3 =	sadd.s32 $0x88, s3;
	s6 =	simm.s32 @!p1 $0x1082;
	[sflag:s4] =	ssyncset.s32 $0xFFFFF086  }
0x25: {  	[simem:s6], [sflag:s4] =	dma.local [hbm:s3], $0xF7A  }
0x26: {  	[smem:$0x3F9B] =	sst s1;
	(tag) =	ssettag s2;
	_ =	strace s9  }
0x27: {  	s1 =	sld [smem:$0x3FAB]  }
0x28: {  	s2 =	sld [smem:$0x3FAC]  }
0x29: {  	s4 =	sld [smem:$0x3FAE]  }
0x2a: {  	p0 =	seq.s32 s5, $0x0;
	s5 =	sld [smem:$0x3FAF]  }
0x2b: {  	s6 =	sld [smem:$0x3FB0]  }
0x2c: {  	s7 =	sld [smem:$0x3FB1]  }
0x2d: {  	s3 =	simm.s32 $0x108;
	s8 =	sld [smem:$0x3FB2]  }
0x2e: {  	s3 =	simm.s32 @!p0 $0x1082;
	s9 =	sld [smem:$0x3FB3]  }
0x2f: {  	lr =	sadd.s32 s0, s3;
	s0 =	sld [smem:$0x3FAA]  }
0x30: {  	s3 =	sld [smem:$0x3FAD]  }
0x31: {  	[smem:$0x3FB6] =	sst s10  }
0x32: {  	s10 =	sld [smem:$0x3FB4];
	_ =	sdelay $0x3  }
0x33: {  	p0 =	seq.s32 s10, $0x1;
	s10 =	sld [smem:$0x3FB6];
	_ =	sdelay $0x3  }
0x34: {  	[smem:$0x3FB6] =	sst s10  }
0x35: {  	s10 =	sld [smem:$0x3FB5];
	_ =	sdelay $0x3  }
0x36: {  	p1 =	seq.s32 s10, $0x1;
	s10 =	sld [smem:$0x3FB6];
	_ =	sdelay $0x3  }
0x37: {  	[smem:$0x3FB6] =	sst s10  }
0x38: {  	s10 =	sld [smem:$0x3FB7]  }
0x39: {  	_ = 	snop;
	(pc) =	sbr.ind lr, $3  }
0x3a: {  	_ = 	snop  }
0x3b: {  	_ = 	snop  }
0x3c: {  	p2 =	seq.s32 s10, $0x1;
	s10 =	sld [smem:$0x3FB6]  }
0x3d: {  	_ =	shalt  }
0x3e: {  	_ =	shalt  }
0x3f: {  	_ =	shalt  }
0x40: {  	_ =	shalt  }
0x41: {  	_ =	shalt  }
0x42: {  	_ =	shalt  }
0x43: {  	_ =	shalt  }
0x44: {  	_ =	shalt  }
0x45: {  	_ =	shalt  }
0x46: {  	_ =	shalt  }
0x47: {  	_ =	shalt  }
0x48: {  	_ =	shalt  }
0x49: {  	_ =	shalt  }
0x4a: {  	_ =	shalt  }
0x4b: {  	_ =	shalt  }
0x4c: {  	_ =	shalt  }
0x4d: {  	_ =	shalt  }
0x4e: {  	_ =	shalt  }
0x4f: {  	_ =	shalt  }
0x50: {  	_ =	shalt  }
0x51: {  	_ =	shalt  }
0x52: {  	_ =	shalt  }
0x53: {  	_ =	shalt  }
0x54: {  	_ =	shalt  }
0x55: {  	_ =	shalt  }
0x56: {  	_ =	shalt  }
0x57: {  	_ =	shalt  }
0x58: {  	_ =	shalt  }
0x59: {  	_ =	shalt  }
0x5a: {  	_ =	shalt  }
0x5b: {  	_ =	shalt  }
0x5c: {  	_ =	shalt  }
0x5d: {  	_ =	shalt  }
0x5e: {  	_ =	shalt  }
0x5f: {  	_ =	shalt  }
0x60: {  	_ =	shalt  }
0x61: {  	_ =	shalt  }
0x62: {  	_ =	shalt  }
0x63: {  	_ =	shalt  }
0x64: {  	_ =	shalt  }
0x65: {  	_ =	shalt  }
0x66: {  	_ =	shalt  }
0x67: {  	_ =	shalt  }
0x68: {  	_ =	shalt  }
0x69: {  	_ =	shalt  }
0x6a: {  	_ =	shalt  }
0x6b: {  	_ =	shalt  }
0x6c: {  	_ =	shalt  }
0x6d: {  	_ =	shalt  }
0x6e: {  	_ =	shalt  }
0x6f: {  	_ =	shalt  }
0x70: {  	_ =	shalt  }
0x71: {  	_ =	shalt  }
0x72: {  	_ =	shalt  }
0x73: {  	_ =	shalt  }
0x74: {  	_ =	shalt  }
0x75: {  	_ =	shalt  }
0x76: {  	_ =	shalt  }
0x77: {  	_ =	shalt  }
0x78: {  	_ =	shalt  }
0x79: {  	_ =	shalt  }
0x7a: {  	_ =	shalt  }
0x7b: {  	_ =	shalt  }
0x7c: {  	_ =	shalt  }
0x7d: {  	_ =	shalt  }
0x7e: {  	_ =	shalt  }
0x7f: {  	_ =	shalt  }
0x80: {  	_ =	shalt  }
0x81: {  	_ =	shalt  }
0x82: {  	_ =	shalt  }
0x83: {  	_ =	shalt  }
0x84: {  	_ =	shalt  }
0x85: {  	_ =	shalt  }
0x86: {  	_ =	shalt  }
0x87: {  	_ =	shalt  }
.Lfunc_end0:
.L_simem_size_0:
called_computation_lowered:
.L_overlay_start_0:
0x88: {  	s2 =	sld [smem:$0x3FD9]  }
0x89: {  	s3 =	sld [smem:$0x3FFE];
	_ =	sdelay $0x1  }
0x8a: {  	s1 =	srdreg.scid  }
0x8b: {  	s0 =	sand.u32 $0x1, s1  }
0x8c: {  	s17 =	sshll.u32 s0, $0xA;
	s2 =	sadd.s32 s3, s2  }
0x8d: {  	s2 =	sadd.s32 s2, s17  }
0x8e: {  	[smem:$0x3FC2] =	sst s2  }
0x8f: {  	_ = 	snop  }
0x90: {  	s2 =	sld [smem:$0x3FC8]  }
0x91: {  	s18 =	sld [smem:$0x3FD0];
	(tm) =	ssettm $0x1  }
0x92: {  	s4 =	sld [smem:$0x3FFB];
	_ =	sdelay $0x3  }
0x93: {  	_ =	strace s4  }
0x94: {  	s4 =	sld [smem:$0x3FFC];
	_ =	sdelay $0x3  }
0x95: {  	_ =	strace s4  }
0x96: {  	s4 =	sld [smem:$0x3FFD];
	_ =	sdelay $0x3  }
0x97: {  	_ =	strace s4  }
0x98: {  	_ =	strace $0x8FFFFFFF  }
0x99: {  	s19 =	sld [smem:$0x3FDB];
	_ =	sdelay $0x1  }
0x9a: {  	s5 =	simm.s32 $_scs_section_size  }
0x9b: {  	s6 =	simm.s32 $_size__tile_overlayer_lowered;
	s7 =	simm.s32 $_tile_overlayer_lowered  }
0x9c: {  	s22 =	simm.s32 $0x1BFF;
	s21 =	sshll.u32 s7, $0x1;
	s4 =	sadd.s32 s5, s19  }
0x9d: {  	s8 =	simm.s32 $0x0;
	s20 =	sshll.u32 s6, $0x1;
	s6 =	sadd.s32 s21, s4  }
0x9e: {  	[timem:s8], [sflag:s22] =	dma.local [hbm:s6], s20  }
0x9f: {  	_ =	swait.ge [sflag:s22], s20  }
0xa0: {  	s5 =	ssub.s32 $0x0, s20;
	[sflag:s22] =	ssyncset.done $0x0  }
0xa1: {  	[sflag:s22] =	ssyncadd.s32 s5;
	_ =	sdelay $0x1  }
0xa2: {  	s23 =	simm.s32 $0x1B8B  }
0xa3: {  	_ =	swait.ge [sflag:s23], $0x1  }
0xa4: {  	[sflag:s23] =	ssyncset.done $0x0  }
0xa5: {  	s25 =	simm.s32 $0x1B8E;
	s24 =	sld [smem:$0x3FFE];
	[sflag:s23] =	ssyncadd.s32 $0xFFFFFFFF  }
0xa6: {  	s26 =	simm.s32 $execute0_lowered;
	[smem:$0x3FD2] =	sst s25  }
0xa7: {  	s6 =	sshll.u32 s26, $0x1;
	_ =	strace $0x80000046;
	[dreg:$0x1] =	wrdreg $0xFFFFFFFF  }
0xa8: {  	s28 =	simm.s32 $_size_execute0_lowered;
	s4 =	sadd.s32 s4, s6;
	[dreg:$0x0] =	wrdreg $0x0  }
0xa9: {  	s6 =	sshll.u32 s28, $0x1;
	[dreg:$0x2] =	wrdreg s4  }
0xaa: {  	[dreg:$0x3] =	wrdreg s6  }
0xab: {  	[dreg:$0x4] =	wrdreg $0xC0  }
0xac: {  	_ =	task [dreg:s8], $0x5FFFF  }
0xad: {  	[dreg:$0x1] =	wrdreg $0xFFFFFFFF  }
0xae: {  	[dreg:$0x0] =	wrdreg $0x60  }
0xaf: {  	[dreg:$0x2] =	wrdreg s18  }
0xb0: {  	[dreg:$0x3] =	wrdreg s2  }
0xb1: {  	[dreg:$0x4] =	wrdreg s24  }
0xb2: {  	[dreg:$0x5] =	wrdreg $0x9  }
0xb3: {  	_ =	task.clear_ibuf [dreg:s8], $0x6FFFF;
	_ =	strace $0x90000046  }
0xb4: {  	s29 =	simm.s32 $0x9;
	_ =	strace $0x80000048  }
0xb5: {  	_ =	swait.ge [sflag:s29], $0x1  }
0xb6: {  	[sflag:s29] =	ssyncadd.s32 $0xFFFFFFFF  }
0xb7: {  	_ =	strace $0x90000048  }
0xb8: {  	_ =	sfence  }
0xb9: {  	s30 =	sld [smem:$0x0];
	_ =	sdelay $0x2  }
0xba: {  	s31 =	sshll.u32 s1, $0xD;
	s1 =	sshrl.u32 s1, $0x2  }
0xbb: {  	s3 =	sand.u32 $0x4000, s31;
	s1 =	sadd.s32 s1, s30  }
0xbc: {  	s0 =	sor.u32 s3, s0;
	s1 =	sshll.u32 s1, $0x11  }
0xbd: {  	s0 =	sor.u32 s1, s0  }
0xbe: {  	s0 =	sadd.s32 $0x8F2B, s0  }
0xbf: {  	[sflag:s0] =	ssyncadd.remote.s32 $0x1  }
0xc0: {  	_ =	sfence.sel $0xFFFF  }
0xc1: {  	[dreg:$0x0] =	wrdreg $0xFFFFFFFF;
	(pc) =	sbr.abs _section_cstart, $3  }
0xc2: {  	[dreg:$0x1] =	wrdreg $0xFFFFFFFF  }
0xc3: {  	_ =	task.clear_ibuf [dreg:s8], $0x2FFFF;
	_ =	strace $0x9FFFFFFF  }
0xc4: {  	(tm) =	ssettm $0x7FFFFFFF  }
0xc5: {  	_ =	shalt  }
tec
execute0_lowered:
.L_overlay_start_1:
0x0: {  	(tag) =	ssettag $0x1  }
0x1: {  	s4 =	rddreg [dreg:$0x0]  }
0x2: {  	s2 =	rddreg [dreg:$0x1]  }
0x3: {  	s5 =	rddreg [dreg:$0x2]  }
0x4: {  	s0 =	rddreg [dreg:$0x3]  }
0x5: {  	s6 =	srdreg.scid;
	s1 =	stileid.u32;
	s3 =	simm.s32 $0x0  }
0x6: {  	s10 =	simm.s32 $0x80;
	s11 =	simm.s32 $0xB400;
	s12 =	simm.s32 $0x100  }
0x7: {  	s13 =	simm.s32 $0xE800;
	s14 =	simm.s32 $0x180;
	s15 =	simm.s32 $0x11C00  }
0x8: {  	s16 =	simm.s32 $0x1;
	s17 =	simm.s32 $0x2;
	s18 =	simm.s32 $0x3  }
0x9: {  	s19 =	simm.s32 $0x4;
	s20 =	simm.s32 $0x15000;
	s21 =	simm.s32 $0x0  }
0xa: {  	s6 =	sand.u32 $0x1, s6;
	s7 =	sshll.u32 s1, $0x1;
	[smem:$0x7FF] =	sst s3  }
.Ltmp0:
0xb: {  	s7 =	sor.u32 s6, s7;
	s6 =	ssub.s32 $0x2, s6;
	(pc) =	sbr.rel .LBB2_1-.Ltmp0, $4  }
0xc: {  	_ =	strace $0x80000047;
	s8 =	sshll.u32 s7, $0xB;
	s9 =	sshrl.u32 s6, $0x1  }
0xd: {  	s7 =	sshll.u32 s7, $0xC;
	s5 =	sadd.s32 s8, s5;
	s6 =	ssub.s32 s6, s9  }
0xe: {  	s4 =	sadd.s32 s4, s7;
	s7 =	simm.s32 $0x5;
	s8 =	simm.s32 $0x64  }
0xf: {  	s9 =	simm.s32 $0x8000;
	s5 =	sadd.s32 $0xE00, s5;
	s6 =	smax.u32 s6, $0x1  }
.LBB2_12:
0x10: {  	s21 =	sadd.s32 $0x1, s21  }
0x11: {  	p0 =	sne.s32 s21, s6  }
.Ltmp1:
0x12: {  	_ = 	snop;
	(pc) =	sbr.rel @!p0 .LBB2_13-.Ltmp1, $4  }
0x13: {  	[hbm4b:s5+s3] =	stream.linear.scatter [tilespmem:s20], [sflag:$0x5], $0x4000, $0x38;
	[tilespmem:$0x19000] =	vst v63  }
0x14: {  	_ =	swait.ge [sflag:s7], $0x4000  }
0x15: {  	[sflag:s7] =	ssyncset.done $0x0  }
0x16: {  	[sflag:s7] =	ssyncadd.s32 $0xFFFFC000  }
.LBB2_1:
0x17: {  	[tilespmem:s3], [sflag:$0x5] =	stream.linear.gather [hbm4b:s4+s3], $0x8000, $0x38;
	[tilespmem:$0x19000] =	vst v63  }
0x18: {  	_ =	swait.ge [sflag:s7], $0x8000  }
0x19: {  	[sflag:s7] =	ssyncset.done $0x0  }
0x1a: {  	[sflag:s7] =	ssyncadd.s32 $0xFFFF8000  }
0x1b: {  	[tilespmem:s9], [sflag:$0x1] =	stream.indirect.gather [hbm4b:s2+s8], $0x80, s3, s8, $0xb8;
	[tilespmem:$0x19000] =	vst v63  }
0x1c: {  	_ = 	snop  }
0x1d: {  	[tilespmem:s11], [sflag:$0x2] =	stream.indirect.gather [hbm4b:s2+s8], $0x80, s10, s8, $0xb8;
	[tilespmem:$0x19000] =	vst v63  }
0x1e: {  	_ = 	snop  }
0x1f: {  	[tilespmem:s13], [sflag:$0x3] =	stream.indirect.gather [hbm4b:s2+s8], $0x80, s12, s8, $0xb8;
	[tilespmem:$0x19000] =	vst v63  }
0x20: {  	s22 =	simm.s32 $0x0  }
0x21: {  	[tilespmem:s15], [sflag:$0x4] =	stream.indirect.gather [hbm4b:s2+s8], $0x80, s14, s8, $0xb8;
	[tilespmem:$0x19000] =	vst v63  }
.LBB2_2:
0x22: {  	_ =	swait.ge [sflag:s16], $0x3200  }
0x23: {  	[sflag:s16] =	ssyncset.done $0x0  }
0x24: {  	s24 =	simm.s32 $0x8100;
	[sflag:s16] =	ssyncadd.s32 $0xFFFFCE00  }
0x25: {  	v4 =	vld [tilespmem:s24+$0x80]  }
0x26: {  	v5 =	vld [tilespmem:s24+$0x90]  }
0x27: {  	v11 =	vld [tilespmem:s24+$0xA0]  }
0x28: {  	v12 =	vld [tilespmem:s24+$0xB0]  }
0x29: {  	v0 =	vld [tilespmem:s24+$0xC0]  }
0x2a: {  	v1 =	vld [tilespmem:s24+$0xD0]  }
0x2b: {  	v6 =	vld [tilespmem:s24+$0x0]  }
0x2c: {  	v7 =	vld [tilespmem:s24+$0x10]  }
0x2d: {  	v9 =	vld [tilespmem:s24+$0x20]  }
0x2e: {  	v10 =	vld [tilespmem:s24+$0x30]  }
0x2f: {  	v3 =	vld [tilespmem:s24+$0x40]  }
0x30: {  	v2 =	vld [tilespmem:s24+$0x50]  }
0x31: {  	v8 =	vld [tilespmem:s24+$0xFFFFFF80]  }
0x32: {  	v13 =	vld [tilespmem:s24+$0xFFFFFF90]  }
0x33: {  	v14 =	vld [tilespmem:s24+$0xFFFFFF00]  }
0x34: {  	v15 =	vld [tilespmem:s24+$0xFFFFFF10]  }
0x35: {  	v16 =	vld [tilespmem:s24+$0xFFFFFF20]  }
0x36: {  	v17 =	vld [tilespmem:s24+$0xFFFFFF30]  }
0x37: {  	v18 =	vld [tilespmem:s24+$0xFFFFFFA0]  }
0x38: {  	v19 =	vld [tilespmem:s24+$0xFFFFFFB0]  }
0x39: {  	v20 =	vimm.f32 $0.0e+00;
	v21 =	vld [tilespmem:s24+$0xFFFFFFC0]  }
0x3a: {  	v22 =	vld [tilespmem:s24+$0xFFFFFFD0];
	v14 =	vadd.f32 v14, v20;
	v15 =	vadd.f32 v15, v20  }
0x3b: {  	v23 =	vld [tilespmem:s24+$0xFFFFFF40];
	v16 =	vadd.f32 v16, v20;
	v17 =	vadd.f32 v17, v20  }
0x3c: {  	v24 =	vld [tilespmem:s24+$0xFFFFFF50];
	v8 =	vadd.f32 v8, v14;
	v13 =	vadd.f32 v13, v15  }
0x3d: {  	v14 =	vld [tilespmem:s24+$0xFFFFFF60];
	v15 =	vadd.f32 v18, v16;
	v16 =	vadd.f32 v19, v17  }
0x3e: {  	v17 =	vld [tilespmem:s24+$0xFFFFFF70];
	v6 =	vadd.f32 v6, v8;
	v13 =	vadd.f32 v7, v13  }
0x3f: {  	v8 =	vld [tilespmem:s24+$0xFFFFFFE0];
	v15 =	vadd.f32 v9, v15;
	v16 =	vadd.f32 v10, v16  }
0x40: {  	v10 =	vld [tilespmem:s24+$0xFFFFFFF0];
	v7 =	vadd.f32 v4, v6;
	v6 =	vadd.f32 v5, v13  }
0x41: {  	v9 =	vld [tilespmem:s24+$0x60];
	v5 =	vadd.f32 v11, v15;
	v4 =	vadd.f32 v12, v16  }
0x42: {  	v13 =	vadd.f32 v23, v20;
	v16 =	vadd.f32 v24, v20;
	v12 =	vld [tilespmem:s24+$0x70]  }
0x43: {  	v11 =	vld [tilespmem:s24+$0xE0];
	v15 =	vadd.f32 v14, v20;
	v14 =	vadd.f32 v17, v20  }
0x44: {  	s23 =	simm.s32 $0x0;
	v17 =	vadd.f32 v21, v13;
	v16 =	vadd.f32 v22, v16;
	v13 =	vld [tilespmem:s24+$0xF0];
	s24 =	simm.s32 $0x8300  }
.LBB2_3:
0x45: {  	v18 =	vld [tilespmem:s24+$0x80];
	v8 =	vadd.f32 v8, v15;
	v10 =	vadd.f32 v10, v14  }
0x46: {  	v14 =	vld [tilespmem:s24+$0x90];
	v3 =	vadd.f32 v3, v17;
	v2 =	vadd.f32 v2, v16  }
0x47: {  	v15 =	vld [tilespmem:s24+$0xA0];
	v8 =	vadd.f32 v9, v8;
	v9 =	vadd.f32 v12, v10  }
0x48: {  	v12 =	vld [tilespmem:s24+$0xB0];
	v16 =	vadd.f32 v0, v3;
	v17 =	vadd.f32 v1, v2  }
0x49: {  	v0 =	vld [tilespmem:s24+$0xC0];
	v11 =	vadd.f32 v11, v8;
	v13 =	vadd.f32 v13, v9  }
0x4a: {  	v1 =	vld [tilespmem:s24+$0xD0]  }
0x4b: {  	v8 =	vld [tilespmem:s24+$0x0]  }
0x4c: {  	v9 =	vld [tilespmem:s24+$0x10]  }
0x4d: {  	v10 =	vld [tilespmem:s24+$0x20]  }
0x4e: {  	v19 =	vld [tilespmem:s24+$0x30]  }
0x4f: {  	v3 =	vld [tilespmem:s24+$0x40]  }
0x50: {  	v2 =	vld [tilespmem:s24+$0x50]  }
0x51: {  	v20 =	vld [tilespmem:s24+$0xFFFFFF80]  }
0x52: {  	v21 =	vld [tilespmem:s24+$0xFFFFFF90]  }
0x53: {  	v22 =	vld [tilespmem:s24+$0xFFFFFF00]  }
0x54: {  	v23 =	vld [tilespmem:s24+$0xFFFFFF10]  }
0x55: {  	v24 =	vld [tilespmem:s24+$0xFFFFFF20]  }
0x56: {  	v25 =	vld [tilespmem:s24+$0xFFFFFF30]  }
0x57: {  	v26 =	vld [tilespmem:s24+$0xFFFFFFA0]  }
0x58: {  	v27 =	vld [tilespmem:s24+$0xFFFFFFB0]  }
0x59: {  	v28 =	vld [tilespmem:s24+$0xFFFFFFC0]  }
0x5a: {  	v7 =	vadd.f32 v22, v7;
	v6 =	vadd.f32 v23, v6;
	v22 =	vld [tilespmem:s24+$0xFFFFFFD0]  }
0x5b: {  	v5 =	vadd.f32 v24, v5;
	v4 =	vadd.f32 v25, v4;
	v23 =	vld [tilespmem:s24+$0xFFFFFF40]  }
0x5c: {  	v7 =	vadd.f32 v20, v7;
	v6 =	vadd.f32 v21, v6;
	v24 =	vld [tilespmem:s24+$0xFFFFFF50]  }
0x5d: {  	v5 =	vadd.f32 v26, v5;
	v20 =	vld [tilespmem:s24+$0xFFFFFF60];
	v4 =	vadd.f32 v27, v4  }
0x5e: {  	s23 =	sadd.s32 $0x4, s23;
	v7 =	vadd.f32 v8, v7;
	v6 =	vadd.f32 v9, v6;
	v21 =	vld [tilespmem:s24+$0xFFFFFF70]  }
0x5f: {  	p0 =	slt.u32 s23, $0x60;
	v5 =	vadd.f32 v10, v5;
	v8 =	vld [tilespmem:s24+$0xFFFFFFE0];
	v4 =	vadd.f32 v19, v4  }
.Ltmp2:
0x60: {  	v7 =	vadd.f32 v18, v7;
	v6 =	vadd.f32 v14, v6;
	v10 =	vld [tilespmem:s24+$0xFFFFFFF0];
	(pc) =	sbr.rel @p0 .LBB2_3-.Ltmp2, $4  }
0x61: {  	v5 =	vadd.f32 v15, v5;
	v9 =	vld [tilespmem:s24+$0x60];
	v4 =	vadd.f32 v12, v4  }
0x62: {  	v16 =	vadd.f32 v23, v16;
	v18 =	vadd.f32 v24, v17;
	v12 =	vld [tilespmem:s24+$0x70]  }
0x63: {  	v15 =	vadd.f32 v20, v11;
	v14 =	vadd.f32 v21, v13;
	v11 =	vld [tilespmem:s24+$0xE0]  }
0x64: {  	v17 =	vadd.f32 v28, v16;
	v16 =	vadd.f32 v22, v18;
	v13 =	vld [tilespmem:s24+$0xF0];
	s24 =	sadd.s32 $0x200, s24  }
0x65: {  	s23 =	sshll.u32 s22, $0xA  }
0x66: {  	s23 =	sshra.s32 s23, $0x2  }
0x67: {  	v8 =	vadd.f32 v8, v15;
	v3 =	vadd.f32 v3, v17;
	[tilespmem:s23+$0x15000] =	vst v7  }
0x68: {  	v2 =	vadd.f32 v2, v16;
	v7 =	vadd.f32 v10, v14;
	[tilespmem:s23+$0x15010] =	vst v6  }
0x69: {  	v6 =	vadd.f32 v9, v8;
	[tilespmem:s23+$0x15020] =	vst v5;
	v0 =	vadd.f32 v0, v3  }
0x6a: {  	[tilespmem:s23+$0x15030] =	vst v4;
	v1 =	vadd.f32 v1, v2;
	v3 =	vadd.f32 v12, v7  }
0x6b: {  	v2 =	vadd.f32 v11, v6;
	[tilespmem:s23+$0x15040] =	vst v0  }
0x6c: {  	s24 =	sshll.u32 s22, $0xB;
	p0 =	seq.s32 s22, $0x3F;
	[tilespmem:s23+$0x15050] =	vst v1;
	v0 =	vadd.f32 v13, v3  }
0x6d: {  	s25 =	sshrl.u32 @!p0 s24, $0x2;
	[tilespmem:s23+$0x15060] =	vst v2  }
0x6e: {  	s28 =	simm.s32 @!p0 $0x64;
	s29 =	simm.s32 @!p0 $0x8000;
	s26 =	sadd.s32 @!p0 $0x200, s25;
	[tilespmem:s23+$0x15070] =	vst v0  }
0x6f: {  	[tilespmem:s29], [sflag:$0x1] =	stream.indirect.gather @!p0 [hbm4b:s2+s28], $0x80, s26, s28, $0xb8;
	[tilespmem:$0x19000] =	vst v63  }
0x70: {  	_ =	swait.ge [sflag:s17], $0x3200  }
0x71: {  	[sflag:s17] =	ssyncset.done $0x0  }
0x72: {  	s28 =	simm.s32 $0xB500;
	[sflag:s17] =	ssyncadd.s32 $0xFFFFCE00  }
0x73: {  	v4 =	vld [tilespmem:s28+$0x80]  }
0x74: {  	v5 =	vld [tilespmem:s28+$0x90]  }
0x75: {  	v11 =	vld [tilespmem:s28+$0xA0]  }
0x76: {  	v12 =	vld [tilespmem:s28+$0xB0]  }
0x77: {  	v0 =	vld [tilespmem:s28+$0xC0]  }
0x78: {  	v1 =	vld [tilespmem:s28+$0xD0]  }
0x79: {  	v6 =	vld [tilespmem:s28+$0x0]  }
0x7a: {  	v7 =	vld [tilespmem:s28+$0x10]  }
0x7b: {  	v9 =	vld [tilespmem:s28+$0x20]  }
0x7c: {  	v10 =	vld [tilespmem:s28+$0x30]  }
0x7d: {  	v3 =	vld [tilespmem:s28+$0x40]  }
0x7e: {  	v2 =	vld [tilespmem:s28+$0x50]  }
0x7f: {  	v8 =	vld [tilespmem:s28+$0xFFFFFF80]  }
0x80: {  	v13 =	vld [tilespmem:s28+$0xFFFFFF90]  }
0x81: {  	v14 =	vld [tilespmem:s28+$0xFFFFFF00]  }
0x82: {  	v15 =	vld [tilespmem:s28+$0xFFFFFF10]  }
0x83: {  	v16 =	vld [tilespmem:s28+$0xFFFFFF20]  }
0x84: {  	v17 =	vld [tilespmem:s28+$0xFFFFFF30]  }
0x85: {  	v18 =	vld [tilespmem:s28+$0xFFFFFFA0]  }
0x86: {  	v19 =	vld [tilespmem:s28+$0xFFFFFFB0]  }
0x87: {  	v20 =	vimm.f32 $0.0e+00;
	v21 =	vld [tilespmem:s28+$0xFFFFFFC0]  }
0x88: {  	v22 =	vld [tilespmem:s28+$0xFFFFFFD0];
	v14 =	vadd.f32 v14, v20;
	v15 =	vadd.f32 v15, v20  }
0x89: {  	v23 =	vld [tilespmem:s28+$0xFFFFFF40];
	v16 =	vadd.f32 v16, v20;
	v17 =	vadd.f32 v17, v20  }
0x8a: {  	v24 =	vld [tilespmem:s28+$0xFFFFFF50];
	v8 =	vadd.f32 v8, v14;
	v13 =	vadd.f32 v13, v15  }
0x8b: {  	v14 =	vld [tilespmem:s28+$0xFFFFFF60];
	v15 =	vadd.f32 v18, v16;
	v16 =	vadd.f32 v19, v17  }
0x8c: {  	v17 =	vld [tilespmem:s28+$0xFFFFFF70];
	v6 =	vadd.f32 v6, v8;
	v13 =	vadd.f32 v7, v13  }
0x8d: {  	v8 =	vld [tilespmem:s28+$0xFFFFFFE0];
	v15 =	vadd.f32 v9, v15;
	v16 =	vadd.f32 v10, v16  }
0x8e: {  	v10 =	vld [tilespmem:s28+$0xFFFFFFF0];
	v7 =	vadd.f32 v4, v6;
	v6 =	vadd.f32 v5, v13  }
0x8f: {  	v9 =	vld [tilespmem:s28+$0x60];
	v5 =	vadd.f32 v11, v15;
	v4 =	vadd.f32 v12, v16  }
0x90: {  	v13 =	vadd.f32 v23, v20;
	v16 =	vadd.f32 v24, v20;
	v12 =	vld [tilespmem:s28+$0x70]  }
0x91: {  	v11 =	vld [tilespmem:s28+$0xE0];
	v15 =	vadd.f32 v14, v20;
	v14 =	vadd.f32 v17, v20  }
0x92: {  	s26 =	simm.s32 $0x0;
	v17 =	vadd.f32 v21, v13;
	v16 =	vadd.f32 v22, v16;
	v13 =	vld [tilespmem:s28+$0xF0];
	s28 =	simm.s32 $0xB700  }
.LBB2_5:
0x93: {  	v18 =	vld [tilespmem:s28+$0x80];
	v8 =	vadd.f32 v8, v15;
	v10 =	vadd.f32 v10, v14  }
0x94: {  	v14 =	vld [tilespmem:s28+$0x90];
	v3 =	vadd.f32 v3, v17;
	v2 =	vadd.f32 v2, v16  }
0x95: {  	v15 =	vld [tilespmem:s28+$0xA0];
	v8 =	vadd.f32 v9, v8;
	v9 =	vadd.f32 v12, v10  }
0x96: {  	v12 =	vld [tilespmem:s28+$0xB0];
	v16 =	vadd.f32 v0, v3;
	v17 =	vadd.f32 v1, v2  }
0x97: {  	v0 =	vld [tilespmem:s28+$0xC0];
	v11 =	vadd.f32 v11, v8;
	v13 =	vadd.f32 v13, v9  }
0x98: {  	v1 =	vld [tilespmem:s28+$0xD0]  }
0x99: {  	v8 =	vld [tilespmem:s28+$0x0]  }
0x9a: {  	v9 =	vld [tilespmem:s28+$0x10]  }
0x9b: {  	v10 =	vld [tilespmem:s28+$0x20]  }
0x9c: {  	v19 =	vld [tilespmem:s28+$0x30]  }
0x9d: {  	v3 =	vld [tilespmem:s28+$0x40]  }
0x9e: {  	v2 =	vld [tilespmem:s28+$0x50]  }
0x9f: {  	v20 =	vld [tilespmem:s28+$0xFFFFFF80]  }
0xa0: {  	v21 =	vld [tilespmem:s28+$0xFFFFFF90]  }
0xa1: {  	v22 =	vld [tilespmem:s28+$0xFFFFFF00]  }
0xa2: {  	v23 =	vld [tilespmem:s28+$0xFFFFFF10]  }
0xa3: {  	v24 =	vld [tilespmem:s28+$0xFFFFFF20]  }
0xa4: {  	v25 =	vld [tilespmem:s28+$0xFFFFFF30]  }
0xa5: {  	v26 =	vld [tilespmem:s28+$0xFFFFFFA0]  }
0xa6: {  	v27 =	vld [tilespmem:s28+$0xFFFFFFB0]  }
0xa7: {  	v28 =	vld [tilespmem:s28+$0xFFFFFFC0]  }
0xa8: {  	v7 =	vadd.f32 v22, v7;
	v6 =	vadd.f32 v23, v6;
	v22 =	vld [tilespmem:s28+$0xFFFFFFD0]  }
0xa9: {  	v5 =	vadd.f32 v24, v5;
	v4 =	vadd.f32 v25, v4;
	v23 =	vld [tilespmem:s28+$0xFFFFFF40]  }
0xaa: {  	v7 =	vadd.f32 v20, v7;
	v6 =	vadd.f32 v21, v6;
	v24 =	vld [tilespmem:s28+$0xFFFFFF50]  }
0xab: {  	v5 =	vadd.f32 v26, v5;
	v20 =	vld [tilespmem:s28+$0xFFFFFF60];
	v4 =	vadd.f32 v27, v4  }
0xac: {  	s26 =	sadd.s32 $0x4, s26;
	v7 =	vadd.f32 v8, v7;
	v6 =	vadd.f32 v9, v6;
	v21 =	vld [tilespmem:s28+$0xFFFFFF70]  }
0xad: {  	p1 =	slt.u32 s26, $0x60;
	v5 =	vadd.f32 v10, v5;
	v8 =	vld [tilespmem:s28+$0xFFFFFFE0];
	v4 =	vadd.f32 v19, v4  }
.Ltmp3:
0xae: {  	v7 =	vadd.f32 v18, v7;
	v6 =	vadd.f32 v14, v6;
	v10 =	vld [tilespmem:s28+$0xFFFFFFF0];
	(pc) =	sbr.rel @p1 .LBB2_5-.Ltmp3, $4  }
0xaf: {  	v5 =	vadd.f32 v15, v5;
	v9 =	vld [tilespmem:s28+$0x60];
	v4 =	vadd.f32 v12, v4  }
0xb0: {  	v16 =	vadd.f32 v23, v16;
	v18 =	vadd.f32 v24, v17;
	v12 =	vld [tilespmem:s28+$0x70]  }
0xb1: {  	v15 =	vadd.f32 v20, v11;
	v14 =	vadd.f32 v21, v13;
	v11 =	vld [tilespmem:s28+$0xE0]  }
0xb2: {  	v17 =	vadd.f32 v28, v16;
	v16 =	vadd.f32 v22, v18;
	v13 =	vld [tilespmem:s28+$0xF0];
	s28 =	sadd.s32 $0x200, s28  }
0xb3: {  	_ = 	snop  }
0xb4: {  	v8 =	vadd.f32 v8, v15;
	[tilespmem:s23+$0x15000] =	vst.add.f32.msk $0xffff, v7;
	v3 =	vadd.f32 v3, v17  }
0xb5: {  	v7 =	vadd.f32 v10, v14;
	[tilespmem:s23+$0x15010] =	vst.add.f32.msk $0xffff, v6;
	v2 =	vadd.f32 v2, v16  }
0xb6: {  	[tilespmem:s23+$0x15020] =	vst.add.f32.msk $0xffff, v5;
	v6 =	vadd.f32 v9, v8;
	v0 =	vadd.f32 v0, v3  }
0xb7: {  	[tilespmem:s23+$0x15030] =	vst.add.f32.msk $0xffff, v4;
	v3 =	vadd.f32 v12, v7;
	v1 =	vadd.f32 v1, v2  }
0xb8: {  	v2 =	vadd.f32 v11, v6;
	[tilespmem:s23+$0x15040] =	vst.add.f32.msk $0xffff, v0  }
0xb9: {  	v0 =	vadd.f32 v13, v3;
	[tilespmem:s23+$0x15050] =	vst.add.f32.msk $0xffff, v1  }
0xba: {  	[tilespmem:s23+$0x15060] =	vst.add.f32.msk $0xffff, v2  }
0xbb: {  	s26 =	sadd.s32 @!p0 $0x280, s25;
	s28 =	simm.s32 @!p0 $0x64;
	s29 =	simm.s32 @!p0 $0xB400;
	[tilespmem:s23+$0x15070] =	vst.add.f32.msk $0xffff, v0  }
0xbc: {  	[tilespmem:s29], [sflag:$0x2] =	stream.indirect.gather @!p0 [hbm4b:s2+s28], $0x80, s26, s28, $0xb8;
	[tilespmem:$0x19000] =	vst v63  }
0xbd: {  	_ =	swait.ge [sflag:s18], $0x3200  }
0xbe: {  	[sflag:s18] =	ssyncset.done $0x0  }
0xbf: {  	s28 =	simm.s32 $0xE900;
	[sflag:s18] =	ssyncadd.s32 $0xFFFFCE00  }
0xc0: {  	v4 =	vld [tilespmem:s28+$0x80]  }
0xc1: {  	v5 =	vld [tilespmem:s28+$0x90]  }
0xc2: {  	v11 =	vld [tilespmem:s28+$0xA0]  }
0xc3: {  	v12 =	vld [tilespmem:s28+$0xB0]  }
0xc4: {  	v0 =	vld [tilespmem:s28+$0xC0]  }
0xc5: {  	v1 =	vld [tilespmem:s28+$0xD0]  }
0xc6: {  	v6 =	vld [tilespmem:s28+$0x0]  }
0xc7: {  	v7 =	vld [tilespmem:s28+$0x10]  }
0xc8: {  	v9 =	vld [tilespmem:s28+$0x20]  }
0xc9: {  	v10 =	vld [tilespmem:s28+$0x30]  }
0xca: {  	v3 =	vld [tilespmem:s28+$0x40]  }
0xcb: {  	v2 =	vld [tilespmem:s28+$0x50]  }
0xcc: {  	v8 =	vld [tilespmem:s28+$0xFFFFFF80]  }
0xcd: {  	v13 =	vld [tilespmem:s28+$0xFFFFFF90]  }
0xce: {  	v14 =	vld [tilespmem:s28+$0xFFFFFF00]  }
0xcf: {  	v15 =	vld [tilespmem:s28+$0xFFFFFF10]  }
0xd0: {  	v16 =	vld [tilespmem:s28+$0xFFFFFF20]  }
0xd1: {  	v17 =	vld [tilespmem:s28+$0xFFFFFF30]  }
0xd2: {  	v18 =	vld [tilespmem:s28+$0xFFFFFFA0]  }
0xd3: {  	v19 =	vld [tilespmem:s28+$0xFFFFFFB0]  }
0xd4: {  	v20 =	vimm.f32 $0.0e+00;
	v21 =	vld [tilespmem:s28+$0xFFFFFFC0]  }
0xd5: {  	v22 =	vld [tilespmem:s28+$0xFFFFFFD0];
	v14 =	vadd.f32 v14, v20;
	v15 =	vadd.f32 v15, v20  }
0xd6: {  	v23 =	vld [tilespmem:s28+$0xFFFFFF40];
	v16 =	vadd.f32 v16, v20;
	v17 =	vadd.f32 v17, v20  }
0xd7: {  	v24 =	vld [tilespmem:s28+$0xFFFFFF50];
	v8 =	vadd.f32 v8, v14;
	v13 =	vadd.f32 v13, v15  }
0xd8: {  	v14 =	vld [tilespmem:s28+$0xFFFFFF60];
	v15 =	vadd.f32 v18, v16;
	v16 =	vadd.f32 v19, v17  }
0xd9: {  	v17 =	vld [tilespmem:s28+$0xFFFFFF70];
	v6 =	vadd.f32 v6, v8;
	v13 =	vadd.f32 v7, v13  }
0xda: {  	v8 =	vld [tilespmem:s28+$0xFFFFFFE0];
	v15 =	vadd.f32 v9, v15;
	v16 =	vadd.f32 v10, v16  }
0xdb: {  	v10 =	vld [tilespmem:s28+$0xFFFFFFF0];
	v7 =	vadd.f32 v4, v6;
	v6 =	vadd.f32 v5, v13  }
0xdc: {  	v9 =	vld [tilespmem:s28+$0x60];
	v5 =	vadd.f32 v11, v15;
	v4 =	vadd.f32 v12, v16  }
0xdd: {  	v13 =	vadd.f32 v23, v20;
	v16 =	vadd.f32 v24, v20;
	v12 =	vld [tilespmem:s28+$0x70]  }
0xde: {  	v11 =	vld [tilespmem:s28+$0xE0];
	v15 =	vadd.f32 v14, v20;
	v14 =	vadd.f32 v17, v20  }
0xdf: {  	s26 =	simm.s32 $0x0;
	v17 =	vadd.f32 v21, v13;
	v16 =	vadd.f32 v22, v16;
	v13 =	vld [tilespmem:s28+$0xF0];
	s28 =	simm.s32 $0xEB00  }
.LBB2_7:
0xe0: {  	v18 =	vld [tilespmem:s28+$0x80];
	v8 =	vadd.f32 v8, v15;
	v10 =	vadd.f32 v10, v14  }
0xe1: {  	v14 =	vld [tilespmem:s28+$0x90];
	v3 =	vadd.f32 v3, v17;
	v2 =	vadd.f32 v2, v16  }
0xe2: {  	v15 =	vld [tilespmem:s28+$0xA0];
	v8 =	vadd.f32 v9, v8;
	v9 =	vadd.f32 v12, v10  }
0xe3: {  	v12 =	vld [tilespmem:s28+$0xB0];
	v16 =	vadd.f32 v0, v3;
	v17 =	vadd.f32 v1, v2  }
0xe4: {  	v0 =	vld [tilespmem:s28+$0xC0];
	v11 =	vadd.f32 v11, v8;
	v13 =	vadd.f32 v13, v9  }
0xe5: {  	v1 =	vld [tilespmem:s28+$0xD0]  }
0xe6: {  	v8 =	vld [tilespmem:s28+$0x0]  }
0xe7: {  	v9 =	vld [tilespmem:s28+$0x10]  }
0xe8: {  	v10 =	vld [tilespmem:s28+$0x20]  }
0xe9: {  	v19 =	vld [tilespmem:s28+$0x30]  }
0xea: {  	v3 =	vld [tilespmem:s28+$0x40]  }
0xeb: {  	v2 =	vld [tilespmem:s28+$0x50]  }
0xec: {  	v20 =	vld [tilespmem:s28+$0xFFFFFF80]  }
0xed: {  	v21 =	vld [tilespmem:s28+$0xFFFFFF90]  }
0xee: {  	v22 =	vld [tilespmem:s28+$0xFFFFFF00]  }
0xef: {  	v23 =	vld [tilespmem:s28+$0xFFFFFF10]  }
0xf0: {  	v24 =	vld [tilespmem:s28+$0xFFFFFF20]  }
0xf1: {  	v25 =	vld [tilespmem:s28+$0xFFFFFF30]  }
0xf2: {  	v26 =	vld [tilespmem:s28+$0xFFFFFFA0]  }
0xf3: {  	v27 =	vld [tilespmem:s28+$0xFFFFFFB0]  }
0xf4: {  	v28 =	vld [tilespmem:s28+$0xFFFFFFC0]  }
0xf5: {  	v7 =	vadd.f32 v22, v7;
	v6 =	vadd.f32 v23, v6;
	v22 =	vld [tilespmem:s28+$0xFFFFFFD0]  }
0xf6: {  	v5 =	vadd.f32 v24, v5;
	v4 =	vadd.f32 v25, v4;
	v23 =	vld [tilespmem:s28+$0xFFFFFF40]  }
0xf7: {  	v7 =	vadd.f32 v20, v7;
	v6 =	vadd.f32 v21, v6;
	v24 =	vld [tilespmem:s28+$0xFFFFFF50]  }
0xf8: {  	v5 =	vadd.f32 v26, v5;
	v20 =	vld [tilespmem:s28+$0xFFFFFF60];
	v4 =	vadd.f32 v27, v4  }
0xf9: {  	s26 =	sadd.s32 $0x4, s26;
	v7 =	vadd.f32 v8, v7;
	v6 =	vadd.f32 v9, v6;
	v21 =	vld [tilespmem:s28+$0xFFFFFF70]  }
0xfa: {  	p1 =	slt.u32 s26, $0x60;
	v5 =	vadd.f32 v10, v5;
	v8 =	vld [tilespmem:s28+$0xFFFFFFE0];
	v4 =	vadd.f32 v19, v4  }
.Ltmp4:
0xfb: {  	v7 =	vadd.f32 v18, v7;
	v6 =	vadd.f32 v14, v6;
	v10 =	vld [tilespmem:s28+$0xFFFFFFF0];
	(pc) =	sbr.rel @p1 .LBB2_7-.Ltmp4, $4  }
0xfc: {  	v5 =	vadd.f32 v15, v5;
	v9 =	vld [tilespmem:s28+$0x60];
	v4 =	vadd.f32 v12, v4  }
0xfd: {  	v16 =	vadd.f32 v23, v16;
	v18 =	vadd.f32 v24, v17;
	v12 =	vld [tilespmem:s28+$0x70]  }
0xfe: {  	v15 =	vadd.f32 v20, v11;
	v14 =	vadd.f32 v21, v13;
	v11 =	vld [tilespmem:s28+$0xE0]  }
0xff: {  	v17 =	vadd.f32 v28, v16;
	v16 =	vadd.f32 v22, v18;
	v13 =	vld [tilespmem:s28+$0xF0];
	s28 =	sadd.s32 $0x200, s28  }
0x100: {  	_ = 	snop  }
0x101: {  	v8 =	vadd.f32 v8, v15;
	[tilespmem:s23+$0x15080] =	vst v7;
	v3 =	vadd.f32 v3, v17  }
0x102: {  	v7 =	vadd.f32 v10, v14;
	[tilespmem:s23+$0x15090] =	vst v6;
	v2 =	vadd.f32 v2, v16  }
0x103: {  	[tilespmem:s23+$0x150A0] =	vst v5;
	v6 =	vadd.f32 v9, v8;
	v0 =	vadd.f32 v0, v3  }
0x104: {  	[tilespmem:s23+$0x150B0] =	vst v4;
	v3 =	vadd.f32 v12, v7;
	v1 =	vadd.f32 v1, v2  }
0x105: {  	v2 =	vadd.f32 v11, v6;
	[tilespmem:s23+$0x150C0] =	vst v0  }
0x106: {  	v0 =	vadd.f32 v13, v3;
	[tilespmem:s23+$0x150D0] =	vst v1  }
0x107: {  	[tilespmem:s23+$0x150E0] =	vst v2  }
0x108: {  	s25 =	sadd.s32 @!p0 $0x300, s25;
	s26 =	simm.s32 @!p0 $0x64;
	s28 =	simm.s32 @!p0 $0xE800;
	[tilespmem:s23+$0x150F0] =	vst v0  }
0x109: {  	[tilespmem:s28], [sflag:$0x3] =	stream.indirect.gather @!p0 [hbm4b:s2+s26], $0x80, s25, s26, $0xb8;
	[tilespmem:$0x19000] =	vst v63  }
0x10a: {  	_ =	swait.ge [sflag:s19], $0x3200  }
0x10b: {  	[sflag:s19] =	ssyncset.done $0x0  }
0x10c: {  	s31 =	simm.s32 $0x11D00;
	[sflag:s19] =	ssyncadd.s32 $0xFFFFCE00  }
0x10d: {  	v4 =	vld [tilespmem:s31+$0x80]  }
0x10e: {  	v5 =	vld [tilespmem:s31+$0x90]  }
0x10f: {  	v11 =	vld [tilespmem:s31+$0xA0]  }
0x110: {  	v12 =	vld [tilespmem:s31+$0xB0]  }
0x111: {  	v0 =	vld [tilespmem:s31+$0xC0]  }
0x112: {  	v1 =	vld [tilespmem:s31+$0xD0]  }
0x113: {  	v6 =	vld [tilespmem:s31+$0x0]  }
0x114: {  	v7 =	vld [tilespmem:s31+$0x10]  }
0x115: {  	v9 =	vld [tilespmem:s31+$0x20]  }
0x116: {  	v10 =	vld [tilespmem:s31+$0x30]  }
0x117: {  	v3 =	vld [tilespmem:s31+$0x40]  }
0x118: {  	v2 =	vld [tilespmem:s31+$0x50]  }
0x119: {  	v8 =	vld [tilespmem:s31+$0xFFFFFF80]  }
0x11a: {  	v13 =	vld [tilespmem:s31+$0xFFFFFF90]  }
0x11b: {  	v14 =	vld [tilespmem:s31+$0xFFFFFF00]  }
0x11c: {  	v15 =	vld [tilespmem:s31+$0xFFFFFF10]  }
0x11d: {  	v16 =	vld [tilespmem:s31+$0xFFFFFF20]  }
0x11e: {  	v17 =	vld [tilespmem:s31+$0xFFFFFF30]  }
0x11f: {  	v18 =	vld [tilespmem:s31+$0xFFFFFFA0]  }
0x120: {  	v19 =	vld [tilespmem:s31+$0xFFFFFFB0]  }
0x121: {  	v20 =	vimm.f32 $0.0e+00;
	v21 =	vld [tilespmem:s31+$0xFFFFFFC0]  }
0x122: {  	v22 =	vld [tilespmem:s31+$0xFFFFFFD0];
	v14 =	vadd.f32 v14, v20;
	v15 =	vadd.f32 v15, v20  }
0x123: {  	v23 =	vld [tilespmem:s31+$0xFFFFFF40];
	v16 =	vadd.f32 v16, v20;
	v17 =	vadd.f32 v17, v20  }
0x124: {  	v24 =	vld [tilespmem:s31+$0xFFFFFF50];
	v8 =	vadd.f32 v8, v14;
	v13 =	vadd.f32 v13, v15  }
0x125: {  	v14 =	vld [tilespmem:s31+$0xFFFFFF60];
	v15 =	vadd.f32 v18, v16;
	v16 =	vadd.f32 v19, v17  }
0x126: {  	v17 =	vld [tilespmem:s31+$0xFFFFFF70];
	v6 =	vadd.f32 v6, v8;
	v13 =	vadd.f32 v7, v13  }
0x127: {  	v8 =	vld [tilespmem:s31+$0xFFFFFFE0];
	v15 =	vadd.f32 v9, v15;
	v16 =	vadd.f32 v10, v16  }
0x128: {  	v10 =	vld [tilespmem:s31+$0xFFFFFFF0];
	v7 =	vadd.f32 v4, v6;
	v6 =	vadd.f32 v5, v13  }
0x129: {  	v9 =	vld [tilespmem:s31+$0x60];
	v5 =	vadd.f32 v11, v15;
	v4 =	vadd.f32 v12, v16  }
0x12a: {  	v13 =	vadd.f32 v23, v20;
	v16 =	vadd.f32 v24, v20;
	v12 =	vld [tilespmem:s31+$0x70]  }
0x12b: {  	v11 =	vld [tilespmem:s31+$0xE0];
	v15 =	vadd.f32 v14, v20;
	v14 =	vadd.f32 v17, v20  }
0x12c: {  	s25 =	simm.s32 $0x0;
	s26 =	simm.s32 $0x11F00;
	v17 =	vadd.f32 v21, v13;
	v16 =	vadd.f32 v22, v16;
	v13 =	vld [tilespmem:s31+$0xF0]  }
.LBB2_9:
0x12d: {  	v18 =	vld [tilespmem:s26+$0x80];
	v8 =	vadd.f32 v8, v15;
	v10 =	vadd.f32 v10, v14  }
0x12e: {  	v14 =	vld [tilespmem:s26+$0x90];
	v3 =	vadd.f32 v3, v17;
	v2 =	vadd.f32 v2, v16  }
0x12f: {  	v15 =	vld [tilespmem:s26+$0xA0];
	v8 =	vadd.f32 v9, v8;
	v9 =	vadd.f32 v12, v10  }
0x130: {  	v12 =	vld [tilespmem:s26+$0xB0];
	v16 =	vadd.f32 v0, v3;
	v17 =	vadd.f32 v1, v2  }
0x131: {  	v0 =	vld [tilespmem:s26+$0xC0];
	v11 =	vadd.f32 v11, v8;
	v13 =	vadd.f32 v13, v9  }
0x132: {  	v1 =	vld [tilespmem:s26+$0xD0]  }
0x133: {  	v8 =	vld [tilespmem:s26+$0x0]  }
0x134: {  	v9 =	vld [tilespmem:s26+$0x10]  }
0x135: {  	v10 =	vld [tilespmem:s26+$0x20]  }
0x136: {  	v19 =	vld [tilespmem:s26+$0x30]  }
0x137: {  	v3 =	vld [tilespmem:s26+$0x40]  }
0x138: {  	v2 =	vld [tilespmem:s26+$0x50]  }
0x139: {  	v20 =	vld [tilespmem:s26+$0xFFFFFF80]  }
0x13a: {  	v21 =	vld [tilespmem:s26+$0xFFFFFF90]  }
0x13b: {  	v22 =	vld [tilespmem:s26+$0xFFFFFF00]  }
0x13c: {  	v23 =	vld [tilespmem:s26+$0xFFFFFF10]  }
0x13d: {  	v24 =	vld [tilespmem:s26+$0xFFFFFF20]  }
0x13e: {  	v25 =	vld [tilespmem:s26+$0xFFFFFF30]  }
0x13f: {  	v26 =	vld [tilespmem:s26+$0xFFFFFFA0]  }
0x140: {  	v27 =	vld [tilespmem:s26+$0xFFFFFFB0]  }
0x141: {  	v28 =	vld [tilespmem:s26+$0xFFFFFFC0]  }
0x142: {  	v7 =	vadd.f32 v22, v7;
	v6 =	vadd.f32 v23, v6;
	v22 =	vld [tilespmem:s26+$0xFFFFFFD0]  }
0x143: {  	v5 =	vadd.f32 v24, v5;
	v4 =	vadd.f32 v25, v4;
	v23 =	vld [tilespmem:s26+$0xFFFFFF40]  }
0x144: {  	v7 =	vadd.f32 v20, v7;
	v6 =	vadd.f32 v21, v6;
	v24 =	vld [tilespmem:s26+$0xFFFFFF50]  }
0x145: {  	v5 =	vadd.f32 v26, v5;
	v20 =	vld [tilespmem:s26+$0xFFFFFF60];
	v4 =	vadd.f32 v27, v4  }
0x146: {  	s25 =	sadd.s32 $0x4, s25;
	v7 =	vadd.f32 v8, v7;
	v6 =	vadd.f32 v9, v6;
	v21 =	vld [tilespmem:s26+$0xFFFFFF70]  }
0x147: {  	p1 =	slt.u32 s25, $0x60;
	v5 =	vadd.f32 v10, v5;
	v8 =	vld [tilespmem:s26+$0xFFFFFFE0];
	v4 =	vadd.f32 v19, v4  }
.Ltmp5:
0x148: {  	v7 =	vadd.f32 v18, v7;
	v6 =	vadd.f32 v14, v6;
	v10 =	vld [tilespmem:s26+$0xFFFFFFF0];
	(pc) =	sbr.rel @p1 .LBB2_9-.Ltmp5, $4  }
0x149: {  	v5 =	vadd.f32 v15, v5;
	v9 =	vld [tilespmem:s26+$0x60];
	v4 =	vadd.f32 v12, v4  }
0x14a: {  	v16 =	vadd.f32 v23, v16;
	v18 =	vadd.f32 v24, v17;
	v12 =	vld [tilespmem:s26+$0x70]  }
0x14b: {  	v15 =	vadd.f32 v20, v11;
	v14 =	vadd.f32 v21, v13;
	v11 =	vld [tilespmem:s26+$0xE0]  }
0x14c: {  	v17 =	vadd.f32 v28, v16;
	v16 =	vadd.f32 v22, v18;
	v13 =	vld [tilespmem:s26+$0xF0];
	s26 =	sadd.s32 $0x200, s26  }
0x14d: {  	_ = 	snop  }
0x14e: {  	v8 =	vadd.f32 v8, v15;
	[tilespmem:s23+$0x15080] =	vst.add.f32.msk $0xffff, v7;
	v3 =	vadd.f32 v3, v17  }
0x14f: {  	v59 =	vadd.f32 v10, v14;
	[tilespmem:s23+$0x15090] =	vst.add.f32.msk $0xffff, v6;
	v2 =	vadd.f32 v2, v16  }
0x150: {  	[tilespmem:s23+$0x150A0] =	vst.add.f32.msk $0xffff, v5;
	v60 =	vadd.f32 v9, v8;
	v0 =	vadd.f32 v0, v3  }
.Ltmp6:
0x151: {  	[tilespmem:s23+$0x150B0] =	vst.add.f32.msk $0xffff, v4;
	v61 =	vadd.f32 v12, v59;
	v1 =	vadd.f32 v1, v2;
	(pc) =	sbr.rel @p0 .LBB2_12-.Ltmp6, $4  }
0x152: {  	v62 =	vadd.f32 v11, v60;
	[tilespmem:s23+$0x150C0] =	vst.add.f32.msk $0xffff, v0  }
0x153: {  	v63 =	vadd.f32 v13, v61;
	[tilespmem:s23+$0x150D0] =	vst.add.f32.msk $0xffff, v1  }
0x154: {  	[tilespmem:s23+$0x150E0] =	vst.add.f32.msk $0xffff, v62  }
0x155: {  	[tilespmem:s23+$0x150F0] =	vst.add.f32.msk $0xffff, v63  }
.Ltmp7:
0x156: {  	(pc) =	sbr.rel .LBB2_2-.Ltmp7, $4  }
0x157: {  	_ = 	snop  }
0x158: {  	s23 =	sshrl.u32 s24, $0x2  }
0x159: {  	s22 =	sadd.s32 $0x1, s22;
	s23 =	sadd.s32 $0x380, s23  }
0x15a: {  	[tilespmem:s15], [sflag:$0x4] =	stream.indirect.gather [hbm4b:s2+s8], $0x80, s23, s8, $0xb8;
	[tilespmem:$0x19000] =	vst v63  }
.LBB2_13:
0x15b: {  	_ =	sfence.sel $0x180000  }
0x15c: {  	[bflag:$0x0] =	sbarrier.arrive $0xFFFF  }
0x15d: {  	p0 =	sne.s32 s1, $0x0;
	_ =	strace $0x90000047  }
0x15e: {  	s0 =	sadd.s32 @!p0 $0x100000, s0;
	[bflag:$0x2] =	sbarrier.arrive $0xFFFF  }
0x15f: {  	[sflag:s0] =	ssyncadd.tile.s32 @!p0 $0x1;
	_ =	shalt  }
.Lfunc_end2:
_tile_overlayer_lowered:
.L_overlay_start_2:
0x160: {  	(tag) =	ssettag $0x2  }
0x161: {  	s0 =	rddreg [dreg:$0x0];
	s2 =	stileid.u32  }
0x162: {  	s1 =	rddreg [dreg:$0x1];
	p0 =	sne.s32 s2, $0x0  }
0x163: {  	s3 =	rddreg [dreg:$0x2];
	[bflag:$0x3] =	sbarrier.arrive $0xFFFF;
	s2 =	simm.s32 @!p0 $0x1C05  }
0x164: {  	[timem:s3], [sflag:s2] =	dma.local @!p0 [hbm:s0], s1  }
0x165: {  	s0 =	simm.s32 @!p0 $0x5  }
0x166: {  	_ =	swait.ge @!p0 [sflag:s0], s1  }
0x167: {  	s1 =	ssub.s32 @!p0 $0x0, s1;
	[sflag:s0] =	ssyncset.done @!p0 $0x0  }
0x168: {  	[sflag:s0] =	ssyncadd.s32 @!p0 s1  }
0x169: {  	[bflag:$0x3] =	sbarrier.arrive $0xFFFF  }
0x16a: {  	_ =	shalt  }

</sc_bundles>
